<compile_context>
chip_gen: v7x
topology: tpu7x:2x2x1
jax: 0.10.2.dev20260603
libtpu: 0.0.44.dev20260713+nightly
codegen_flags: <defaults>
</compile_context>

<pallas_src>
import functools

import jax
import jax.numpy as jnp
from jax import lax
from jax.experimental import pallas as pl
from jax.experimental.pallas import tpu as pltpu
from jax.experimental.pallas import tpu_sc as plsc

_NC = 2
_NS = 16
_NW = _NC * _NS
_CHUNK = 1024
_L = 16


def _sc_scatter(xt, srcp, dstp, probsp, n, d):
    e_pad = srcp.shape[0]
    chunks = e_pad // _CHUNK
    cpt = d // _NW
    flat = cpt * n
    groups = _CHUNK // _L

    mesh = plsc.VectorSubcoreMesh(core_axis_name="c", subcore_axis_name="s")

    @functools.partial(
        pl.kernel,
        out_type=jax.ShapeDtypeStruct((_NW, flat), jnp.float32),
        mesh=mesh,
        compiler_params=pltpu.CompilerParams(needs_layout_passes=False),
        scratch_types=[
            pltpu.VMEM((flat,), jnp.float32),
            pltpu.VMEM((flat,), jnp.float32),
            pltpu.VMEM((2, _CHUNK), jnp.int32),
            pltpu.VMEM((2, _CHUNK), jnp.int32),
            pltpu.VMEM((2, _CHUNK), jnp.float32),
            pltpu.SemaphoreType.DMA,
            pltpu.SemaphoreType.DMA,
        ],
    )
    def k(xt_hbm, src_hbm, dst_hbm, probs_hbm, out_hbm,
          xloc, accl, sbuf, dbuf, pbuf, gsem, isem):
        cid = lax.axis_index("c")
        sid = lax.axis_index("s")
        gid = cid * _NS + sid

        pltpu.async_copy(xt_hbm.at[gid], xloc, gsem)

        def zbody(i, carry):
            accl[pl.ds(i * _L, _L)] = jnp.zeros((_L,), jnp.float32)
            return carry
        lax.fori_loop(0, flat // _L, zbody, 0)

        pltpu.async_copy(src_hbm.at[pl.ds(0, _CHUNK)], sbuf.at[0], isem)
        pltpu.async_copy(dst_hbm.at[pl.ds(0, _CHUNK)], dbuf.at[0], isem)
        pltpu.async_copy(probs_hbm.at[pl.ds(0, _CHUNK)], pbuf.at[0], isem)
        pltpu.make_async_copy(xt_hbm.at[gid], xloc, gsem).wait()

        def chunk_body(ci, carry):
            b = ci % 2
            nb = 1 - b
            pltpu.make_async_copy(src_hbm.at[pl.ds(0, _CHUNK)],
                                  sbuf.at[0], isem).wait()
            pltpu.make_async_copy(dst_hbm.at[pl.ds(0, _CHUNK)],
                                  dbuf.at[0], isem).wait()
            pltpu.make_async_copy(probs_hbm.at[pl.ds(0, _CHUNK)],
                                  pbuf.at[0], isem).wait()
            nc = jnp.minimum(ci + 1, chunks - 1) * _CHUNK
            pltpu.async_copy(src_hbm.at[pl.ds(nc, _CHUNK)], sbuf.at[nb], isem)
            pltpu.async_copy(dst_hbm.at[pl.ds(nc, _CHUNK)], dbuf.at[nb], isem)
            pltpu.async_copy(probs_hbm.at[pl.ds(nc, _CHUNK)], pbuf.at[nb],
                             isem)

            @plsc.parallel_loop(0, groups, 1, unroll=4)
            def group_body(g):
                s16 = sbuf[b, pl.ds(g * _L, _L)]
                d16 = dbuf[b, pl.ds(g * _L, _L)]
                p16 = pbuf[b, pl.ds(g * _L, _L)]
                for c in range(cpt):
                    sf = s16 + (c * n)
                    df = d16 + (c * n)
                    xv = plsc.load_gather(xloc, [sf])
                    plsc.addupdate_scatter(accl, [df], xv * p16)
            return carry
        lax.fori_loop(0, chunks, chunk_body, 0)

        pltpu.make_async_copy(src_hbm.at[pl.ds(0, _CHUNK)],
                              sbuf.at[0], isem).wait()
        pltpu.make_async_copy(dst_hbm.at[pl.ds(0, _CHUNK)],
                              dbuf.at[0], isem).wait()
        pltpu.make_async_copy(probs_hbm.at[pl.ds(0, _CHUNK)],
                              pbuf.at[0], isem).wait()

        pltpu.sync_copy(accl, out_hbm.at[gid])

    return k(xt, srcp, dstp, probsp)


def _combine(x, agg, weight, slw):
    def body(x_ref, a_ref, w_ref, s_ref, o_ref):
        s = s_ref[0, 0]
        o_ref[...] = jnp.clip(
            x_ref[...] * (1.0 + s) + a_ref[...] * w_ref[...], 0.0, 1.0)

    return pl.pallas_call(
        body,
        out_shape=jax.ShapeDtypeStruct(x.shape, x.dtype),
    )(x, agg, weight, slw)


def kernel(x, edge_index, edge_probs, weight, self_loop_weight):
    n, d = x.shape
    e = edge_index.shape[1]
    e_pad = ((e + _CHUNK - 1) // _CHUNK) * _CHUNK
    pad = e_pad - e

    src = jnp.concatenate([edge_index[0], jnp.zeros((pad,), jnp.int32)])
    dst = jnp.concatenate([edge_index[1], jnp.zeros((pad,), jnp.int32)])
    pr = jnp.concatenate(
        [edge_probs.astype(jnp.float32), jnp.zeros((pad,), jnp.float32)])

    cpt = d // _NW
    xt = x.astype(jnp.float32).T.reshape(_NW, cpt * n)

    partials = _sc_scatter(xt, src, dst, pr, n, d)
    agg = partials.reshape(d, n).T

    w2 = weight.astype(jnp.float32).reshape(1, d)
    s2 = jnp.asarray(self_loop_weight, jnp.float32).reshape(1, 1)
    return _combine(x, agg, w2, s2)

# --- scband reference (transcript-rebuilt; emitter-appended) ---
"""Pipeline reference for scband-learnable-diffusion-layer-1176821039618 (READ-ONLY COPY).

The authoritative reference and input builder live on the scoring server;
editing this copy changes nothing except your own understanding.
"""

import jax, jax.numpy as jnp
import numpy as np

N_NODES = 10000
N_EDGES = 320000
D_FEAT = 128


def setup_inputs(seed: int = 0) -> dict:
    key = jax.random.key(seed)
    k1, k2, k3 = jax.random.split(key, 3)
    x = jax.random.uniform(k1, (N_NODES, D_FEAT), dtype=jnp.float32)
    edge_index = jax.random.randint(k2, (2, N_EDGES), 0, N_NODES, dtype=jnp.int32)
    edge_probs = jax.random.uniform(k3, (N_EDGES,), dtype=jnp.float32)
    weight = jnp.ones((D_FEAT,), dtype=jnp.float32)
    self_loop_weight = jnp.asarray(0.1, dtype=jnp.float32)
    return {
        "x": x,
        "edge_index": edge_index,
        "edge_probs": edge_probs,
        "weight": weight,
        "self_loop_weight": self_loop_weight,
    }


def reference(x, edge_index, edge_probs, weight, self_loop_weight):
    src = edge_index[0]
    dst = edge_index[1]
    # gather source node features, modulate by learned edge probability and per-channel weight
    messages = x[src] * edge_probs[:, None] * weight
    # scatter-add into destination nodes (dim_size = num nodes)
    out = jax.ops.segment_sum(messages, dst, num_segments=x.shape[0])
    out = out + x * self_loop_weight
    return jnp.clip(x + out, 0.0, 1.0)

if __name__ == "__main__":
    import jax
    _d = setup_inputs()
    print(jax.jit(kernel)(*tuple(_d.values())))

</pallas_src>

<mosaic_0001>
#map = affine_map<(d0, d1) -> (0, 0)>
#map1 = affine_map<(d0, d1) -> (0)>
module attributes {stable_mosaic.version = 14 : i64} {
  func.func @k(%arg0: i32, %arg1: i32, %arg2: memref<32x40000xf32, #tpu.memory_space<hbm>>, %arg3: memref<320512xi32, #tpu.memory_space<hbm>>, %arg4: memref<320512xi32, #tpu.memory_space<hbm>>, %arg5: memref<320512xf32, #tpu.memory_space<hbm>>, %arg6: memref<32x40000xf32, #tpu.memory_space<hbm>>, %arg7: memref<40000xf32, #tpu.memory_space<vmem>>, %arg8: memref<40000xf32, #tpu.memory_space<vmem>>, %arg9: memref<2x1024xi32, #tpu.memory_space<vmem>>, %arg10: memref<2x1024xi32, #tpu.memory_space<vmem>>, %arg11: memref<2x1024xf32, #tpu.memory_space<vmem>>, %arg12: memref<!tpu.dma_semaphore, #tpu.memory_space<semaphore_mem>>, %arg13: memref<!tpu.dma_semaphore, #tpu.memory_space<semaphore_mem>>) attributes {dimension_semantics = [#tpu.dimension_semantics<core_parallel>, #tpu.dimension_semantics<subcore_parallel>], iteration_bounds = array<i64: 2, 16>, scalar_prefetch = 0 : i64, scratch_operands = 7 : i64, tpu.core_type = #tpu.core_type<sc_vector_subcore>, window_params = [{transform_indices = #map}, {transform_indices = #map1}, {transform_indices = #map1}, {transform_indices = #map1}, {transform_indices = #map}]} {
    %mul3A = arith.constant 16 : i32
    %mul3A_0 = arith.muli %arg0, %mul3A : i32
    %add3A = arith.addi %mul3A_0, %arg1 : i32
    %dma_start3A = arith.constant 0 : i32
    %dma_start3A_1 = tpu.memref_slice %arg2[%add3A, %dma_start3A] : memref<32x40000xf32, #tpu.memory_space<hbm>> -> memref<1x40000xf32, #tpu.memory_space<hbm>>
    %dma_start3A_2 = tpu.memref_squeeze %dma_start3A_1 : memref<1x40000xf32, #tpu.memory_space<hbm>> -> memref<40000xf32, #tpu.memory_space<hbm>>
    %dma_start3A_3 = arith.constant 0 : i32
    %dma_start3A_4 = tpu.memref_slice %arg2[%add3A, %dma_start3A_3] : memref<32x40000xf32, #tpu.memory_space<hbm>> -> memref<1x40000xf32, #tpu.memory_space<hbm>>
    %dma_start3A_5 = tpu.memref_squeeze %dma_start3A_4 : memref<1x40000xf32, #tpu.memory_space<hbm>> -> memref<40000xf32, #tpu.memory_space<hbm>>
    tpu.enqueue_dma source(%dma_start3A_5 : memref<40000xf32, #tpu.memory_space<hbm>>) target(%arg7 : memref<40000xf32, #tpu.memory_space<vmem>>) target_semaphore(%arg12 : memref<!tpu.dma_semaphore, #tpu.memory_space<semaphore_mem>>)
    %scan3A = arith.constant 0 : i32
    %scan3A_6 = arith.constant 0 : i32
    %scan3A_7 = arith.constant 2500 : i32
    %scan3A_8 = arith.addi %scan3A_6, %scan3A_7 : i32
    %scan3A_9 = arith.constant 1 : i32
    scf.for %scan3A_88 = %scan3A_6 to %scan3A_8 step %scan3A_9  : i32 {
      %broadcast_in_dim3A = arith.constant 0.000000e+00 : f32
      %broadcast_in_dim3A_89 = vector.broadcast %broadcast_in_dim3A : f32 to vector<16xf32>
      %mul3A_90 = arith.constant 16 : i32
      %mul3A_91 = arith.muli %scan3A_88, %mul3A_90 : i32
      %swap3A = arith.index_cast %mul3A_91 : i32 to index
      %swap3A_92 = tpu.vector_load %arg8[%swap3A] {strides = array<i32>} : memref<40000xf32, #tpu.memory_space<vmem>>, vector<16xf32>,
      tpu.vector_store %arg8[%swap3A], %broadcast_in_dim3A_89 {strides = array<i32>} : memref<40000xf32, #tpu.memory_space<vmem>>, vector<16xf32>,
    }
    %scan3A_10 = arith.constant 2500 : i32
    %dma_start3A_11 = arith.constant 0 : i32
    %dma_start3A_12 = arith.constant 0 : i32
    %dma_start3A_13 = tpu.memref_slice %arg9[%dma_start3A_11, %dma_start3A_12] : memref<2x1024xi32, #tpu.memory_space<vmem>> -> memref<1x1024xi32, #tpu.memory_space<vmem>>
    %dma_start3A_14 = tpu.memref_squeeze %dma_start3A_13 : memref<1x1024xi32, #tpu.memory_space<vmem>> -> memref<1024xi32, #tpu.memory_space<vmem>>
    %dma_start3A_15 = arith.constant 0 : i32
    %dma_start3A_16 = tpu.memref_slice %arg3[%dma_start3A_15] : memref<320512xi32, #tpu.memory_space<hbm>> -> memref<1024xi32, #tpu.memory_space<hbm>>
    %dma_start3A_17 = arith.constant 0 : i32
    %dma_start3A_18 = tpu.memref_slice %arg9[%dma_start3A_11, %dma_start3A_17] : memref<2x1024xi32, #tpu.memory_space<vmem>> -> memref<1x1024xi32, #tpu.memory_space<vmem>>
    %dma_start3A_19 = tpu.memref_squeeze %dma_start3A_18 : memref<1x1024xi32, #tpu.memory_space<vmem>> -> memref<1024xi32, #tpu.memory_space<vmem>>
    %dma_start3A_20 = arith.constant 0 : i32
    %dma_start3A_21 = tpu.memref_slice %arg3[%dma_start3A_20] : memref<320512xi32, #tpu.memory_space<hbm>> -> memref<1024xi32, #tpu.memory_space<hbm>>
    tpu.enqueue_dma source(%dma_start3A_21 : memref<1024xi32, #tpu.memory_space<hbm>>) target(%dma_start3A_19 : memref<1024xi32, #tpu.memory_space<vmem>>) target_semaphore(%arg13 : memref<!tpu.dma_semaphore, #tpu.memory_space<semaphore_mem>>)
    %dma_start3A_22 = arith.constant 0 : i32
    %dma_start3A_23 = arith.constant 0 : i32
    %dma_start3A_24 = tpu.memref_slice %arg10[%dma_start3A_22, %dma_start3A_23] : memref<2x1024xi32, #tpu.memory_space<vmem>> -> memref<1x1024xi32, #tpu.memory_space<vmem>>
    %dma_start3A_25 = tpu.memref_squeeze %dma_start3A_24 : memref<1x1024xi32, #tpu.memory_space<vmem>> -> memref<1024xi32, #tpu.memory_space<vmem>>
    %dma_start3A_26 = arith.constant 0 : i32
    %dma_start3A_27 = tpu.memref_slice %arg4[%dma_start3A_26] : memref<320512xi32, #tpu.memory_space<hbm>> -> memref<1024xi32, #tpu.memory_space<hbm>>
    %dma_start3A_28 = arith.constant 0 : i32
    %dma_start3A_29 = tpu.memref_slice %arg10[%dma_start3A_22, %dma_start3A_28] : memref<2x1024xi32, #tpu.memory_space<vmem>> -> memref<1x1024xi32, #tpu.memory_space<vmem>>
    %dma_start3A_30 = tpu.memref_squeeze %dma_start3A_29 : memref<1x1024xi32, #tpu.memory_space<vmem>> -> memref<1024xi32, #tpu.memory_space<vmem>>
    %dma_start3A_31 = arith.constant 0 : i32
    %dma_start3A_32 = tpu.memref_slice %arg4[%dma_start3A_31] : memref<320512xi32, #tpu.memory_space<hbm>> -> memref<1024xi32, #tpu.memory_space<hbm>>
    tpu.enqueue_dma source(%dma_start3A_32 : memref<1024xi32, #tpu.memory_space<hbm>>) target(%dma_start3A_30 : memref<1024xi32, #tpu.memory_space<vmem>>) target_semaphore(%arg13 : memref<!tpu.dma_semaphore, #tpu.memory_space<semaphore_mem>>)
    %dma_start3A_33 = arith.constant 0 : i32
    %dma_start3A_34 = arith.constant 0 : i32
    %dma_start3A_35 = tpu.memref_slice %arg11[%dma_start3A_33, %dma_start3A_34] : memref<2x1024xf32, #tpu.memory_space<vmem>> -> memref<1x1024xf32, #tpu.memory_space<vmem>>
    %dma_start3A_36 = tpu.memref_squeeze %dma_start3A_35 : memref<1x1024xf32, #tpu.memory_space<vmem>> -> memref<1024xf32, #tpu.memory_space<vmem>>
    %dma_start3A_37 = arith.constant 0 : i32
    %dma_start3A_38 = tpu.memref_slice %arg5[%dma_start3A_37] : memref<320512xf32, #tpu.memory_space<hbm>> -> memref<1024xf32, #tpu.memory_space<hbm>>
    %dma_start3A_39 = arith.constant 0 : i32
    %dma_start3A_40 = tpu.memref_slice %arg11[%dma_start3A_33, %dma_start3A_39] : memref<2x1024xf32, #tpu.memory_space<vmem>> -> memref<1x1024xf32, #tpu.memory_space<vmem>>
    %dma_start3A_41 = tpu.memref_squeeze %dma_start3A_40 : memref<1x1024xf32, #tpu.memory_space<vmem>> -> memref<1024xf32, #tpu.memory_space<vmem>>
    %dma_start3A_42 = arith.constant 0 : i32
    %dma_start3A_43 = tpu.memref_slice %arg5[%dma_start3A_42] : memref<320512xf32, #tpu.memory_space<hbm>> -> memref<1024xf32, #tpu.memory_space<hbm>>
    tpu.enqueue_dma source(%dma_start3A_43 : memref<1024xf32, #tpu.memory_space<hbm>>) target(%dma_start3A_41 : memref<1024xf32, #tpu.memory_space<vmem>>) target_semaphore(%arg13 : memref<!tpu.dma_semaphore, #tpu.memory_space<semaphore_mem>>)
    %dma_wait3A = arith.constant 0 : i32
    %dma_wait3A_44 = tpu.memref_slice %arg2[%add3A, %dma_wait3A] : memref<32x40000xf32, #tpu.memory_space<hbm>> -> memref<1x40000xf32, #tpu.memory_space<hbm>>
    %dma_wait3A_45 = tpu.memref_squeeze %dma_wait3A_44 : memref<1x40000xf32, #tpu.memory_space<hbm>> -> memref<40000xf32, #tpu.memory_space<hbm>>
    %dma_wait3A_46 = arith.constant 0 : i32
    %dma_wait3A_47 = tpu.memref_slice %arg2[%add3A, %dma_wait3A_46] : memref<32x40000xf32, #tpu.memory_space<hbm>> -> memref<1x40000xf32, #tpu.memory_space<hbm>>
    %dma_wait3A_48 = tpu.memref_squeeze %dma_wait3A_47 : memref<1x40000xf32, #tpu.memory_space<hbm>> -> memref<40000xf32, #tpu.memory_space<hbm>>
    tpu.wait_dma2 semaphore(%arg12 : memref<!tpu.dma_semaphore, #tpu.memory_space<semaphore_mem>>) src(%dma_wait3A_48 : memref<40000xf32, #tpu.memory_space<hbm>>) dst(%arg7 : memref<40000xf32, #tpu.memory_space<vmem>>)
    %scan3A_49 = arith.constant 0 : i32
    %scan3A_50 = arith.constant 0 : i32
    %scan3A_51 = arith.constant 313 : i32
    %scan3A_52 = arith.addi %scan3A_50, %scan3A_51 : i32
    %scan3A_53 = arith.constant 1 : i32
    scf.for %scan3A_88 = %scan3A_50 to %scan3A_52 step %scan3A_53  : i32 {
      %jit3A = arith.constant 2 : i32
      %eq3A = arith.constant 0 : i32
      %eq3A_89 = arith.cmpi eq, %jit3A, %eq3A : i32
      %jit3A_90 = arith.constant 1 : i32
      %select_n3A = arith.select %eq3A_89, %jit3A_90, %jit3A : i32
      %rem3A = arith.remsi %scan3A_88, %select_n3A : i32
      %ne3A = arith.constant 0 : i32
      %ne3A_91 = arith.cmpi ne, %rem3A, %ne3A : i32
      %lt3A = arith.constant 0 : i32
      %lt3A_92 = arith.cmpi slt, %rem3A, %lt3A : i32
      %lt3A_93 = arith.constant 0 : i32
      %lt3A_94 = arith.cmpi slt, %select_n3A, %lt3A_93 : i32
      %ne3A_95 = arith.xori %lt3A_92, %lt3A_94 : i1
      %and3A = arith.andi %ne3A_95, %ne3A_91 : i1
      %add3A_96 = arith.addi %rem3A, %select_n3A : i32
      %select_n3A_97 = arith.select %and3A, %add3A_96, %rem3A : i32
      %sub3A = arith.constant 1 : i32
      %sub3A_98 = arith.subi %sub3A, %select_n3A_97 : i32
      %dma_wait3A_99 = arith.constant 0 : i32
      %dma_wait3A_100 = arith.constant 0 : i32
      %dma_wait3A_101 = tpu.memref_slice %arg9[%dma_wait3A_99, %dma_wait3A_100] : memref<2x1024xi32, #tpu.memory_space<vmem>> -> memref<1x1024xi32, #tpu.memory_space<vmem>>
      %dma_wait3A_102 = tpu.memref_squeeze %dma_wait3A_101 : memref<1x1024xi32, #tpu.memory_space<vmem>> -> memref<1024xi32, #tpu.memory_space<vmem>>
      %dma_wait3A_103 = arith.constant 0 : i32
      %dma_wait3A_104 = tpu.memref_slice %arg3[%dma_wait3A_103] : memref<320512xi32, #tpu.memory_space<hbm>> -> memref<1024xi32, #tpu.memory_space<hbm>>
      %dma_wait3A_105 = arith.constant 0 : i32
      %dma_wait3A_106 = tpu.memref_slice %arg9[%dma_wait3A_99, %dma_wait3A_105] : memref<2x1024xi32, #tpu.memory_space<vmem>> -> memref<1x1024xi32, #tpu.memory_space<vmem>>
      %dma_wait3A_107 = tpu.memref_squeeze %dma_wait3A_106 : memref<1x1024xi32, #tpu.memory_space<vmem>> -> memref<1024xi32, #tpu.memory_space<vmem>>
      %dma_wait3A_108 = arith.constant 0 : i32
      %dma_wait3A_109 = tpu.memref_slice %arg3[%dma_wait3A_108] : memref<320512xi32, #tpu.memory_space<hbm>> -> memref<1024xi32, #tpu.memory_space<hbm>>
      tpu.wait_dma2 semaphore(%arg13 : memref<!tpu.dma_semaphore, #tpu.memory_space<semaphore_mem>>) src(%dma_wait3A_109 : memref<1024xi32, #tpu.memory_space<hbm>>) dst(%dma_wait3A_107 : memref<1024xi32, #tpu.memory_space<vmem>>)
      %dma_wait3A_110 = arith.constant 0 : i32
      %dma_wait3A_111 = arith.constant 0 : i32
      %dma_wait3A_112 = tpu.memref_slice %arg10[%dma_wait3A_110, %dma_wait3A_111] : memref<2x1024xi32, #tpu.memory_space<vmem>> -> memref<1x1024xi32, #tpu.memory_space<vmem>>
      %dma_wait3A_113 = tpu.memref_squeeze %dma_wait3A_112 : memref<1x1024xi32, #tpu.memory_space<vmem>> -> memref<1024xi32, #tpu.memory_space<vmem>>
      %dma_wait3A_114 = arith.constant 0 : i32
      %dma_wait3A_115 = tpu.memref_slice %arg4[%dma_wait3A_114] : memref<320512xi32, #tpu.memory_space<hbm>> -> memref<1024xi32, #tpu.memory_space<hbm>>
      %dma_wait3A_116 = arith.constant 0 : i32
      %dma_wait3A_117 = tpu.memref_slice %arg10[%dma_wait3A_110, %dma_wait3A_116] : memref<2x1024xi32, #tpu.memory_space<vmem>> -> memref<1x1024xi32, #tpu.memory_space<vmem>>
      %dma_wait3A_118 = tpu.memref_squeeze %dma_wait3A_117 : memref<1x1024xi32, #tpu.memory_space<vmem>> -> memref<1024xi32, #tpu.memory_space<vmem>>
      %dma_wait3A_119 = arith.constant 0 : i32
      %dma_wait3A_120 = tpu.memref_slice %arg4[%dma_wait3A_119] : memref<320512xi32, #tpu.memory_space<hbm>> -> memref<1024xi32, #tpu.memory_space<hbm>>
      tpu.wait_dma2 semaphore(%arg13 : memref<!tpu.dma_semaphore, #tpu.memory_space<semaphore_mem>>) src(%dma_wait3A_120 : memref<1024xi32, #tpu.memory_space<hbm>>) dst(%dma_wait3A_118 : memref<1024xi32, #tpu.memory_space<vmem>>)
      %dma_wait3A_121 = arith.constant 0 : i32
      %dma_wait3A_122 = arith.constant 0 : i32
      %dma_wait3A_123 = tpu.memref_slice %arg11[%dma_wait3A_121, %dma_wait3A_122] : memref<2x1024xf32, #tpu.memory_space<vmem>> -> memref<1x1024xf32, #tpu.memory_space<vmem>>
      %dma_wait3A_124 = tpu.memref_squeeze %dma_wait3A_123 : memref<1x1024xf32, #tpu.memory_space<vmem>> -> memref<1024xf32, #tpu.memory_space<vmem>>
      %dma_wait3A_125 = arith.constant 0 : i32
      %dma_wait3A_126 = tpu.memref_slice %arg5[%dma_wait3A_125] : memref<320512xf32, #tpu.memory_space<hbm>> -> memref<1024xf32, #tpu.memory_space<hbm>>
      %dma_wait3A_127 = arith.constant 0 : i32
      %dma_wait3A_128 = tpu.memref_slice %arg11[%dma_wait3A_121, %dma_wait3A_127] : memref<2x1024xf32, #tpu.memory_space<vmem>> -> memref<1x1024xf32, #tpu.memory_space<vmem>>
      %dma_wait3A_129 = tpu.memref_squeeze %dma_wait3A_128 : memref<1x1024xf32, #tpu.memory_space<vmem>> -> memref<1024xf32, #tpu.memory_space<vmem>>
      %dma_wait3A_130 = arith.constant 0 : i32
      %dma_wait3A_131 = tpu.memref_slice %arg5[%dma_wait3A_130] : memref<320512xf32, #tpu.memory_space<hbm>> -> memref<1024xf32, #tpu.memory_space<hbm>>
      tpu.wait_dma2 semaphore(%arg13 : memref<!tpu.dma_semaphore, #tpu.memory_space<semaphore_mem>>) src(%dma_wait3A_131 : memref<1024xf32, #tpu.memory_space<hbm>>) dst(%dma_wait3A_129 : memref<1024xf32, #tpu.memory_space<vmem>>)
      %add3A_132 = arith.constant 1 : i32
      %add3A_133 = arith.addi %scan3A_88, %add3A_132 : i32
      %min3A = arith.constant 312 : i32
      %min3A_134 = arith.minsi %add3A_133, %min3A : i32
      %mul3A_135 = arith.constant 1024 : i32
      %mul3A_136 = arith.muli %min3A_134, %mul3A_135 : i32
      %dma_start3A_137 = arith.constant 0 : i32
      %dma_start3A_138 = tpu.memref_slice %arg9[%sub3A_98, %dma_start3A_137] : memref<2x1024xi32, #tpu.memory_space<vmem>> -> memref<1x1024xi32, #tpu.memory_space<vmem>>
      %dma_start3A_139 = tpu.memref_squeeze %dma_start3A_138 : memref<1x1024xi32, #tpu.memory_space<vmem>> -> memref<1024xi32, #tpu.memory_space<vmem>>
      %dma_start3A_140 = tpu.memref_slice %arg3[%mul3A_136] : memref<320512xi32, #tpu.memory_space<hbm>> -> memref<1024xi32, #tpu.memory_space<hbm>>
      %dma_start3A_141 = arith.constant 0 : i32
      %dma_start3A_142 = tpu.memref_slice %arg9[%sub3A_98, %dma_start3A_141] : memref<2x1024xi32, #tpu.memory_space<vmem>> -> memref<1x1024xi32, #tpu.memory_space<vmem>>
      %dma_start3A_143 = tpu.memref_squeeze %dma_start3A_142 : memref<1x1024xi32, #tpu.memory_space<vmem>> -> memref<1024xi32, #tpu.memory_space<vmem>>
      %dma_start3A_144 = tpu.memref_slice %arg3[%mul3A_136] : memref<320512xi32, #tpu.memory_space<hbm>> -> memref<1024xi32, #tpu.memory_space<hbm>>
      tpu.enqueue_dma source(%dma_start3A_144 : memref<1024xi32, #tpu.memory_space<hbm>>) target(%dma_start3A_143 : memref<1024xi32, #tpu.memory_space<vmem>>) target_semaphore(%arg13 : memref<!tpu.dma_semaphore, #tpu.memory_space<semaphore_mem>>)
      %dma_start3A_145 = arith.constant 0 : i32
      %dma_start3A_146 = tpu.memref_slice %arg10[%sub3A_98, %dma_start3A_145] : memref<2x1024xi32, #tpu.memory_space<vmem>> -> memref<1x1024xi32, #tpu.memory_space<vmem>>
      %dma_start3A_147 = tpu.memref_squeeze %dma_start3A_146 : memref<1x1024xi32, #tpu.memory_space<vmem>> -> memref<1024xi32, #tpu.memory_space<vmem>>
      %dma_start3A_148 = tpu.memref_slice %arg4[%mul3A_136] : memref<320512xi32, #tpu.memory_space<hbm>> -> memref<1024xi32, #tpu.memory_space<hbm>>
      %dma_start3A_149 = arith.constant 0 : i32
      %dma_start3A_150 = tpu.memref_slice %arg10[%sub3A_98, %dma_start3A_149] : memref<2x1024xi32, #tpu.memory_space<vmem>> -> memref<1x1024xi32, #tpu.memory_space<vmem>>
      %dma_start3A_151 = tpu.memref_squeeze %dma_start3A_150 : memref<1x1024xi32, #tpu.memory_space<vmem>> -> memref<1024xi32, #tpu.memory_space<vmem>>
      %dma_start3A_152 = tpu.memref_slice %arg4[%mul3A_136] : memref<320512xi32, #tpu.memory_space<hbm>> -> memref<1024xi32, #tpu.memory_space<hbm>>
      tpu.enqueue_dma source(%dma_start3A_152 : memref<1024xi32, #tpu.memory_space<hbm>>) target(%dma_start3A_151 : memref<1024xi32, #tpu.memory_space<vmem>>) target_semaphore(%arg13 : memref<!tpu.dma_semaphore, #tpu.memory_space<semaphore_mem>>)
      %dma_start3A_153 = arith.constant 0 : i32
      %dma_start3A_154 = tpu.memref_slice %arg11[%sub3A_98, %dma_start3A_153] : memref<2x1024xf32, #tpu.memory_space<vmem>> -> memref<1x1024xf32, #tpu.memory_space<vmem>>
      %dma_start3A_155 = tpu.memref_squeeze %dma_start3A_154 : memref<1x1024xf32, #tpu.memory_space<vmem>> -> memref<1024xf32, #tpu.memory_space<vmem>>
      %dma_start3A_156 = tpu.memref_slice %arg5[%mul3A_136] : memref<320512xf32, #tpu.memory_space<hbm>> -> memref<1024xf32, #tpu.memory_space<hbm>>
      %dma_start3A_157 = arith.constant 0 : i32
      %dma_start3A_158 = tpu.memref_slice %arg11[%sub3A_98, %dma_start3A_157] : memref<2x1024xf32, #tpu.memory_space<vmem>> -> memref<1x1024xf32, #tpu.memory_space<vmem>>
      %dma_start3A_159 = tpu.memref_squeeze %dma_start3A_158 : memref<1x1024xf32, #tpu.memory_space<vmem>> -> memref<1024xf32, #tpu.memory_space<vmem>>
      %dma_start3A_160 = tpu.memref_slice %arg5[%mul3A_136] : memref<320512xf32, #tpu.memory_space<hbm>> -> memref<1024xf32, #tpu.memory_space<hbm>>
      tpu.enqueue_dma source(%dma_start3A_160 : memref<1024xf32, #tpu.memory_space<hbm>>) target(%dma_start3A_159 : memref<1024xf32, #tpu.memory_space<vmem>>) target_semaphore(%arg13 : memref<!tpu.dma_semaphore, #tpu.memory_space<semaphore_mem>>)
      %parallel_loop3A = arith.constant 0 : i32
      %parallel_loop3A_161 = arith.constant 64 : i32
      %parallel_loop3A_162 = arith.constant 1 : i32
      scf.for %parallel_loop3A_163 = %parallel_loop3A to %parallel_loop3A_161 step %parallel_loop3A_162  : i32 {
        %parallel_loop3A_164 = arith.constant 16 : i32
        %parallel_loop3A_165 = arith.muli %parallel_loop3A_163, %parallel_loop3A_164 : i32
        %parallel_loop3A_166 = arith.index_cast %select_n3A_97 : i32 to index
        %parallel_loop3A_167 = arith.index_cast %parallel_loop3A_165 : i32 to index
        %parallel_loop3A_168 = tpu.vector_load %arg9[%parallel_loop3A_166, %parallel_loop3A_167] {strides = array<i32>} : memref<2x1024xi32, #tpu.memory_space<vmem>>, vector<16xi32>,
        %parallel_loop3A_169 = arith.constant 16 : i32
        %parallel_loop3A_170 = arith.muli %parallel_loop3A_163, %parallel_loop3A_169 : i32
        %parallel_loop3A_171 = arith.index_cast %select_n3A_97 : i32 to index
        %parallel_loop3A_172 = arith.index_cast %parallel_loop3A_170 : i32 to index
        %parallel_loop3A_173 = tpu.vector_load %arg10[%parallel_loop3A_171, %parallel_loop3A_172] {strides = array<i32>} : memref<2x1024xi32, #tpu.memory_space<vmem>>, vector<16xi32>,
        %parallel_loop3A_174 = arith.constant 16 : i32
        %parallel_loop3A_175 = arith.muli %parallel_loop3A_163, %parallel_loop3A_174 : i32
        %parallel_loop3A_176 = arith.index_cast %select_n3A_97 : i32 to index
        %parallel_loop3A_177 = arith.index_cast %parallel_loop3A_175 : i32 to index
        %parallel_loop3A_178 = tpu.vector_load %arg11[%parallel_loop3A_176, %parallel_loop3A_177] {strides = array<i32>} : memref<2x1024xf32, #tpu.memory_space<vmem>>, vector<16xf32>,
        %parallel_loop3A_179 = arith.constant 0 : i32
        %parallel_loop3A_180 = vector.broadcast %parallel_loop3A_179 : i32 to vector<16xi32>
        %parallel_loop3A_181 = arith.addi %parallel_loop3A_168, %parallel_loop3A_180 : vector<16xi32>
        %parallel_loop3A_182 = arith.constant 0 : i32
        %parallel_loop3A_183 = vector.broadcast %parallel_loop3A_182 : i32 to vector<16xi32>
        %parallel_loop3A_184 = arith.addi %parallel_loop3A_173, %parallel_loop3A_183 : vector<16xi32>
        %parallel_loop3A_185 = tpu.vector_load_idx %arg7[%parallel_loop3A_181] : memref<40000xf32, #tpu.memory_space<vmem>>[vector<16xi32>], vector<16xf32>,
        %parallel_loop3A_186 = arith.mulf %parallel_loop3A_185, %parallel_loop3A_178 : vector<16xf32>
        tpu.vector_store_idx %arg8[%parallel_loop3A_184], %parallel_loop3A_186 {add = true} : memref<40000xf32, #tpu.memory_space<vmem>>[vector<16xi32>], vector<16xf32>,
        %parallel_loop3A_187 = arith.constant 10000 : i32
        %parallel_loop3A_188 = vector.broadcast %parallel_loop3A_187 : i32 to vector<16xi32>
        %parallel_loop3A_189 = arith.addi %parallel_loop3A_168, %parallel_loop3A_188 : vector<16xi32>
        %parallel_loop3A_190 = arith.constant 10000 : i32
        %parallel_loop3A_191 = vector.broadcast %parallel_loop3A_190 : i32 to vector<16xi32>
        %parallel_loop3A_192 = arith.addi %parallel_loop3A_173, %parallel_loop3A_191 : vector<16xi32>
        %parallel_loop3A_193 = tpu.vector_load_idx %arg7[%parallel_loop3A_189] : memref<40000xf32, #tpu.memory_space<vmem>>[vector<16xi32>], vector<16xf32>,
        %parallel_loop3A_194 = arith.mulf %parallel_loop3A_193, %parallel_loop3A_178 : vector<16xf32>
        tpu.vector_store_idx %arg8[%parallel_loop3A_192], %parallel_loop3A_194 {add = true} : memref<40000xf32, #tpu.memory_space<vmem>>[vector<16xi32>], vector<16xf32>,
        %parallel_loop3A_195 = arith.constant 20000 : i32
        %parallel_loop3A_196 = vector.broadcast %parallel_loop3A_195 : i32 to vector<16xi32>
        %parallel_loop3A_197 = arith.addi %parallel_loop3A_168, %parallel_loop3A_196 : vector<16xi32>
        %parallel_loop3A_198 = arith.constant 20000 : i32
        %parallel_loop3A_199 = vector.broadcast %parallel_loop3A_198 : i32 to vector<16xi32>
        %parallel_loop3A_200 = arith.addi %parallel_loop3A_173, %parallel_loop3A_199 : vector<16xi32>
        %parallel_loop3A_201 = tpu.vector_load_idx %arg7[%parallel_loop3A_197] : memref<40000xf32, #tpu.memory_space<vmem>>[vector<16xi32>], vector<16xf32>,
        %parallel_loop3A_202 = arith.mulf %parallel_loop3A_201, %parallel_loop3A_178 : vector<16xf32>
        tpu.vector_store_idx %arg8[%parallel_loop3A_200], %parallel_loop3A_202 {add = true} : memref<40000xf32, #tpu.memory_space<vmem>>[vector<16xi32>], vector<16xf32>,
        %parallel_loop3A_203 = arith.constant 30000 : i32
        %parallel_loop3A_204 = vector.broadcast %parallel_loop3A_203 : i32 to vector<16xi32>
        %parallel_loop3A_205 = arith.addi %parallel_loop3A_168, %parallel_loop3A_204 : vector<16xi32>
        %parallel_loop3A_206 = arith.constant 30000 : i32
        %parallel_loop3A_207 = vector.broadcast %parallel_loop3A_206 : i32 to vector<16xi32>
        %parallel_loop3A_208 = arith.addi %parallel_loop3A_173, %parallel_loop3A_207 : vector<16xi32>
        %parallel_loop3A_209 = tpu.vector_load_idx %arg7[%parallel_loop3A_205] : memref<40000xf32, #tpu.memory_space<vmem>>[vector<16xi32>], vector<16xf32>,
        %parallel_loop3A_210 = arith.mulf %parallel_loop3A_209, %parallel_loop3A_178 : vector<16xf32>
        tpu.vector_store_idx %arg8[%parallel_loop3A_208], %parallel_loop3A_210 {add = true} : memref<40000xf32, #tpu.memory_space<vmem>>[vector<16xi32>], vector<16xf32>,
      } {sc.loop_unroll_factor = 4 : i64, sc.parallel_access}
    }
    %scan3A_54 = arith.constant 313 : i32
    %dma_wait3A_55 = arith.constant 0 : i32
    %dma_wait3A_56 = arith.constant 0 : i32
    %dma_wait3A_57 = tpu.memref_slice %arg9[%dma_wait3A_55, %dma_wait3A_56] : memref<2x1024xi32, #tpu.memory_space<vmem>> -> memref<1x1024xi32, #tpu.memory_space<vmem>>
    %dma_wait3A_58 = tpu.memref_squeeze %dma_wait3A_57 : memref<1x1024xi32, #tpu.memory_space<vmem>> -> memref<1024xi32, #tpu.memory_space<vmem>>
    %dma_wait3A_59 = arith.constant 0 : i32
    %dma_wait3A_60 = tpu.memref_slice %arg3[%dma_wait3A_59] : memref<320512xi32, #tpu.memory_space<hbm>> -> memref<1024xi32, #tpu.memory_space<hbm>>
    %dma_wait3A_61 = arith.constant 0 : i32
    %dma_wait3A_62 = tpu.memref_slice %arg9[%dma_wait3A_55, %dma_wait3A_61] : memref<2x1024xi32, #tpu.memory_space<vmem>> -> memref<1x1024xi32, #tpu.memory_space<vmem>>
    %dma_wait3A_63 = tpu.memref_squeeze %dma_wait3A_62 : memref<1x1024xi32, #tpu.memory_space<vmem>> -> memref<1024xi32, #tpu.memory_space<vmem>>
    %dma_wait3A_64 = arith.constant 0 : i32
    %dma_wait3A_65 = tpu.memref_slice %arg3[%dma_wait3A_64] : memref<320512xi32, #tpu.memory_space<hbm>> -> memref<1024xi32, #tpu.memory_space<hbm>>
    tpu.wait_dma2 semaphore(%arg13 : memref<!tpu.dma_semaphore, #tpu.memory_space<semaphore_mem>>) src(%dma_wait3A_65 : memref<1024xi32, #tpu.memory_space<hbm>>) dst(%dma_wait3A_63 : memref<1024xi32, #tpu.memory_space<vmem>>)
    %dma_wait3A_66 = arith.constant 0 : i32
    %dma_wait3A_67 = arith.constant 0 : i32
    %dma_wait3A_68 = tpu.memref_slice %arg10[%dma_wait3A_66, %dma_wait3A_67] : memref<2x1024xi32, #tpu.memory_space<vmem>> -> memref<1x1024xi32, #tpu.memory_space<vmem>>
    %dma_wait3A_69 = tpu.memref_squeeze %dma_wait3A_68 : memref<1x1024xi32, #tpu.memory_space<vmem>> -> memref<1024xi32, #tpu.memory_space<vmem>>
    %dma_wait3A_70 = arith.constant 0 : i32
    %dma_wait3A_71 = tpu.memref_slice %arg4[%dma_wait3A_70] : memref<320512xi32, #tpu.memory_space<hbm>> -> memref<1024xi32, #tpu.memory_space<hbm>>
    %dma_wait3A_72 = arith.constant 0 : i32
    %dma_wait3A_73 = tpu.memref_slice %arg10[%dma_wait3A_66, %dma_wait3A_72] : memref<2x1024xi32, #tpu.memory_space<vmem>> -> memref<1x1024xi32, #tpu.memory_space<vmem>>
    %dma_wait3A_74 = tpu.memref_squeeze %dma_wait3A_73 : memref<1x1024xi32, #tpu.memory_space<vmem>> -> memref<1024xi32, #tpu.memory_space<vmem>>
    %dma_wait3A_75 = arith.constant 0 : i32
    %dma_wait3A_76 = tpu.memref_slice %arg4[%dma_wait3A_75] : memref<320512xi32, #tpu.memory_space<hbm>> -> memref<1024xi32, #tpu.memory_space<hbm>>
    tpu.wait_dma2 semaphore(%arg13 : memref<!tpu.dma_semaphore, #tpu.memory_space<semaphore_mem>>) src(%dma_wait3A_76 : memref<1024xi32, #tpu.memory_space<hbm>>) dst(%dma_wait3A_74 : memref<1024xi32, #tpu.memory_space<vmem>>)
    %dma_wait3A_77 = arith.constant 0 : i32
    %dma_wait3A_78 = arith.constant 0 : i32
    %dma_wait3A_79 = tpu.memref_slice %arg11[%dma_wait3A_77, %dma_wait3A_78] : memref<2x1024xf32, #tpu.memory_space<vmem>> -> memref<1x1024xf32, #tpu.memory_space<vmem>>
    %dma_wait3A_80 = tpu.memref_squeeze %dma_wait3A_79 : memref<1x1024xf32, #tpu.memory_space<vmem>> -> memref<1024xf32, #tpu.memory_space<vmem>>
    %dma_wait3A_81 = arith.constant 0 : i32
    %dma_wait3A_82 = tpu.memref_slice %arg5[%dma_wait3A_81] : memref<320512xf32, #tpu.memory_space<hbm>> -> memref<1024xf32, #tpu.memory_space<hbm>>
    %dma_wait3A_83 = arith.constant 0 : i32
    %dma_wait3A_84 = tpu.memref_slice %arg11[%dma_wait3A_77, %dma_wait3A_83] : memref<2x1024xf32, #tpu.memory_space<vmem>> -> memref<1x1024xf32, #tpu.memory_space<vmem>>
    %dma_wait3A_85 = tpu.memref_squeeze %dma_wait3A_84 : memref<1x1024xf32, #tpu.memory_space<vmem>> -> memref<1024xf32, #tpu.memory_space<vmem>>
    %dma_wait3A_86 = arith.constant 0 : i32
    %dma_wait3A_87 = tpu.memref_slice %arg5[%dma_wait3A_86] : memref<320512xf32, #tpu.memory_space<hbm>> -> memref<1024xf32, #tpu.memory_space<hbm>>
    tpu.wait_dma2 semaphore(%arg13 : memref<!tpu.dma_semaphore, #tpu.memory_space<semaphore_mem>>) src(%dma_wait3A_87 : memref<1024xf32, #tpu.memory_space<hbm>>) dst(%dma_wait3A_85 : memref<1024xf32, #tpu.memory_space<vmem>>)
    "tpu.region"() ({
      %run_scoped3A = tpu.sem_alloc : memref<!tpu.dma_semaphore, #tpu.memory_space<semaphore_mem>>
      %dma_start3A_88 = arith.constant 0 : i32
      %dma_start3A_89 = tpu.memref_slice %arg6[%add3A, %dma_start3A_88] : memref<32x40000xf32, #tpu.memory_space<hbm>> -> memref<1x40000xf32, #tpu.memory_space<hbm>>
      %dma_start3A_90 = tpu.memref_squeeze %dma_start3A_89 : memref<1x40000xf32, #tpu.memory_space<hbm>> -> memref<40000xf32, #tpu.memory_space<hbm>>
      %dma_start3A_91 = arith.constant 0 : i32
      %dma_start3A_92 = tpu.memref_slice %arg6[%add3A, %dma_start3A_91] : memref<32x40000xf32, #tpu.memory_space<hbm>> -> memref<1x40000xf32, #tpu.memory_space<hbm>>
      %dma_start3A_93 = tpu.memref_squeeze %dma_start3A_92 : memref<1x40000xf32, #tpu.memory_space<hbm>> -> memref<40000xf32, #tpu.memory_space<hbm>>
      tpu.enqueue_dma source(%arg8 : memref<40000xf32, #tpu.memory_space<vmem>>) target(%dma_start3A_93 : memref<40000xf32, #tpu.memory_space<hbm>>) target_semaphore(%run_scoped3A : memref<!tpu.dma_semaphore, #tpu.memory_space<semaphore_mem>>)
      %dma_wait3A_94 = arith.constant 0 : i32
      %dma_wait3A_95 = tpu.memref_slice %arg6[%add3A, %dma_wait3A_94] : memref<32x40000xf32, #tpu.memory_space<hbm>> -> memref<1x40000xf32, #tpu.memory_space<hbm>>
      %dma_wait3A_96 = tpu.memref_squeeze %dma_wait3A_95 : memref<1x40000xf32, #tpu.memory_space<hbm>> -> memref<40000xf32, #tpu.memory_space<hbm>>
      %dma_wait3A_97 = arith.constant 0 : i32
      %dma_wait3A_98 = tpu.memref_slice %arg6[%add3A, %dma_wait3A_97] : memref<32x40000xf32, #tpu.memory_space<hbm>> -> memref<1x40000xf32, #tpu.memory_space<hbm>>
      %dma_wait3A_99 = tpu.memref_squeeze %dma_wait3A_98 : memref<1x40000xf32, #tpu.memory_space<hbm>> -> memref<40000xf32, #tpu.memory_space<hbm>>
      tpu.wait_dma2 semaphore(%run_scoped3A : memref<!tpu.dma_semaphore, #tpu.memory_space<semaphore_mem>>) src(%arg8 : memref<40000xf32, #tpu.memory_space<vmem>>) dst(%dma_wait3A_99 : memref<40000xf32, #tpu.memory_space<hbm>>)
      tpu.yield
    }) : () -> ()
    return
  }
}

module attributes {stable_mosaic.version = 14 : i64} {
  func.func @body(%arg0: memref<10000x128xf32, #tpu.memory_space<vmem>>, %arg1: memref<10000x128xf32, #tpu.memory_space<vmem>>, %arg2: memref<1x128xf32, #tpu.memory_space<vmem>>, %arg3: memref<1x1xf32, #tpu.memory_space<vmem>>, %arg4: memref<10000x128xf32, #tpu.memory_space<vmem>>) attributes {dimension_semantics = [], scalar_prefetch = 0 : i64, scratch_operands = 0 : i64, tpu.core_type = #tpu.core_type<tc>} {
    %get3A = arith.constant 0 : index
    %get3A_0 = arith.constant 0 : index
    %get3A_1 = vector.load %arg3[%get3A, %get3A_0] : memref<1x1xf32, #tpu.memory_space<vmem>>, vector<1x1xf32>
    %get3A_2 = vector.extract %get3A_1[0, 0] : f32 from vector<1x1xf32>
    %get3A_3 = arith.constant 0 : index
    %get3A_4 = arith.constant 0 : index
    %get3A_5 = vector.load %arg0[%get3A_3, %get3A_4] : memref<10000x128xf32, #tpu.memory_space<vmem>>, vector<10000x128xf32>
    %add3A = arith.constant 1.000000e+00 : f32
    %add3A_6 = arith.addf %add3A, %get3A_2 : f32
    %mul3A = vector.broadcast %add3A_6 : f32 to vector<10000x128xf32>
    %mul3A_7 = arith.mulf %get3A_5, %mul3A : vector<10000x128xf32>
    %get3A_8 = arith.constant 0 : index
    %get3A_9 = arith.constant 0 : index
    %get3A_10 = vector.load %arg1[%get3A_8, %get3A_9] : memref<10000x128xf32, #tpu.memory_space<vmem>>, vector<10000x128xf32>
    %get3A_11 = arith.constant 0 : index
    %get3A_12 = arith.constant 0 : index
    %get3A_13 = vector.load %arg2[%get3A_11, %get3A_12] : memref<1x128xf32, #tpu.memory_space<vmem>>, vector<1x128xf32>
    %mul3A_14 = vector.broadcast %get3A_13 : vector<1x128xf32> to vector<10000x128xf32>
    %mul3A_15 = arith.mulf %get3A_10, %mul3A_14 : vector<10000x128xf32>
    %add3A_16 = arith.addf %mul3A_7, %mul3A_15 : vector<10000x128xf32>
    %jit3A = arith.constant 0.000000e+00 : f32
    %jit3A_17 = arith.constant 1.000000e+00 : f32
    %max3A = vector.broadcast %jit3A : f32 to vector<10000x128xf32>
    %max3A_18 = arith.maximumf %max3A, %add3A_16 : vector<10000x128xf32>
    %min3A = vector.broadcast %jit3A_17 : f32 to vector<10000x128xf32>
    %min3A_19 = arith.minimumf %min3A, %max3A_18 : vector<10000x128xf32>
    %swap3A = arith.constant 0 : index
    %swap3A_20 = arith.constant 0 : index
    %swap3A_21 = vector.load %arg4[%swap3A, %swap3A_20] : memref<10000x128xf32, #tpu.memory_space<vmem>>, vector<10000x128xf32>
    tpu.vector_store %arg4[%swap3A, %swap3A_20], %min3A_19 {strides = array<i32>} : memref<10000x128xf32, #tpu.memory_space<vmem>>, vector<10000x128xf32>,
    return
  }
}

</mosaic_0001>

<sc_bundles>
// kernel: kernel.4.cloned.1.call-start
scs
__scs_entry_jumppad:
0x0: {  	(pc) =	sbr.rel $0x88, $3  }
0x1: {  	(tag) =	ssettag $0x0;
	lr =	simm.s32 $0x1  }
0x2: {  	[smem:$0x3F9C] =	sst lr;
	_ =	strace $0xD0000000  }
0x3: {  	_ = 	snop  }
0x4: {  	_ = 	snop  }
0x5: {  	_ = 	snop  }
0x6: {  	_ = 	snop  }
0x7: {  	_ = 	snop  }
__scs_overlays_trampoline_lowered:
0x8: {  	[smem:$0x3FAB] =	sst s0  }
0x9: {  	[smem:$0x3FAC] =	sst s1  }
0xa: {  	[smem:$0x3FAD] =	sst s2  }
0xb: {  	[smem:$0x3FAE] =	sst s3  }
0xc: {  	[smem:$0x3FAF] =	sst s4  }
0xd: {  	[smem:$0x3FB0] =	sst s5  }
0xe: {  	[smem:$0x3FB1] =	sst s6  }
0xf: {  	[smem:$0x3FB2] =	sst s7  }
0x10: {  	[smem:$0x3FB3] =	sst s8  }
0x11: {  	[smem:$0x3FB4] =	sst s9;
	s0 =	simm.s32 @!p0 $0x0  }
0x12: {  	s1 =	sld [smem:$0x3F9A];
	s0 =	simm.s32 @p0 $0x1  }
0x13: {  	[smem:$0x3FB5] =	sst s0;
	s0 =	simm.s32 @!p1 $0x0  }
0x14: {  	s2 =	sld [smem:$0x3F99];
	s0 =	simm.s32 @p1 $0x1  }
0x15: {  	[smem:$0x3FB6] =	sst s0;
	s0 =	simm.s32 @!p2 $0x0  }
0x16: {  	s3 =	sld [smem:$0x3FDB];
	s0 =	simm.s32 @p2 $0x1  }
0x17: {  	s4 =	simm.s32 $0x1BF5;
	[smem:$0x3FB8] =	sst s0  }
0x18: {  	s0 =	sld [smem:$0x3F9B];
	_ =	swait.ge [sflag:s4], $0x0  }
0x19: {  	s7 =	sld [smem:$0x3F9C]  }
0x1a: {  	s8 =	sadd.s32 $0xFFFFE003, lr  }
0x1b: {  	s9 =	sadd.s32 $0xFFFFFEF7, lr;
	s5 =	simm.s32 $0xFFFFFFFF;
	p2 =	slt.u32 s8, $0xFFFFF086  }
0x1c: {  	p1 =	slt.u32 s9, $0xF7A;
	s5 =	simm.s32 @!p2 $0x0  }
0x1d: {  	s5 =	simm.s32 @p1 $0x1;
	p0 =	seq.s32 s7, s2  }
0x1e: {  	s7 =	smul.u32 @!p0 $0xF7A, s2;
	p2 =	seq.s32 @!p0 s5, $0x0  }
0x1f: {  	s9 =	smul.u32 $0xF7A, s1;
	s8 =	simm.s32 @!p0 $0x1BF5;
	p2 =	por !p2, p0  }
0x20: {  	[sflag:s8] =	ssyncset.s32 @!p0 $0xFFFFF086;
	s6 =	sadd.s32 @!p0 s3, s7;
	s7 =	simm.s32 @!p0 $0x108  }
0x21: {  	s3 =	sadd.s32 s3, s9;
	s6 =	sadd.s32 @!p0 $0x88, s6;
	s7 =	simm.s32 @p2 $0x1082  }
0x22: {  	[simem:s7], [sflag:s8] =	dma.local @!p0 [hbm:s6], $0xF7A  }
0x23: {  	s9 =	sor.u32 $0xD0000000, s2;
	s6 =	simm.s32 $0x108;
	_ =	swait.ge @!p0 [sflag:s8], $0x0  }
0x24: {  	s3 =	sadd.s32 $0x88, s3;
	s6 =	simm.s32 @!p1 $0x1082;
	[sflag:s4] =	ssyncset.s32 $0xFFFFF086  }
0x25: {  	[simem:s6], [sflag:s4] =	dma.local [hbm:s3], $0xF7A  }
0x26: {  	[smem:$0x3F9C] =	sst s1;
	(tag) =	ssettag s2;
	_ =	strace s9  }
0x27: {  	s1 =	sld [smem:$0x3FAC]  }
0x28: {  	s2 =	sld [smem:$0x3FAD]  }
0x29: {  	s4 =	sld [smem:$0x3FAF]  }
0x2a: {  	p0 =	seq.s32 s5, $0x0;
	s5 =	sld [smem:$0x3FB0]  }
0x2b: {  	s6 =	sld [smem:$0x3FB1]  }
0x2c: {  	s7 =	sld [smem:$0x3FB2]  }
0x2d: {  	s3 =	simm.s32 $0x108;
	s8 =	sld [smem:$0x3FB3]  }
0x2e: {  	s3 =	simm.s32 @!p0 $0x1082;
	s9 =	sld [smem:$0x3FB4]  }
0x2f: {  	lr =	sadd.s32 s0, s3;
	s0 =	sld [smem:$0x3FAB]  }
0x30: {  	s3 =	sld [smem:$0x3FAE]  }
0x31: {  	[smem:$0x3FB7] =	sst s10  }
0x32: {  	s10 =	sld [smem:$0x3FB5];
	_ =	sdelay $0x3  }
0x33: {  	p0 =	seq.s32 s10, $0x1;
	s10 =	sld [smem:$0x3FB7];
	_ =	sdelay $0x3  }
0x34: {  	[smem:$0x3FB7] =	sst s10  }
0x35: {  	s10 =	sld [smem:$0x3FB6];
	_ =	sdelay $0x3  }
0x36: {  	p1 =	seq.s32 s10, $0x1;
	s10 =	sld [smem:$0x3FB7];
	_ =	sdelay $0x3  }
0x37: {  	[smem:$0x3FB7] =	sst s10  }
0x38: {  	s10 =	sld [smem:$0x3FB8]  }
0x39: {  	_ = 	snop;
	(pc) =	sbr.ind lr, $3  }
0x3a: {  	_ = 	snop  }
0x3b: {  	_ = 	snop  }
0x3c: {  	p2 =	seq.s32 s10, $0x1;
	s10 =	sld [smem:$0x3FB7]  }
0x3d: {  	_ =	shalt  }
0x3e: {  	_ =	shalt  }
0x3f: {  	_ =	shalt  }
0x40: {  	_ =	shalt  }
0x41: {  	_ =	shalt  }
0x42: {  	_ =	shalt  }
0x43: {  	_ =	shalt  }
0x44: {  	_ =	shalt  }
0x45: {  	_ =	shalt  }
0x46: {  	_ =	shalt  }
0x47: {  	_ =	shalt  }
0x48: {  	_ =	shalt  }
0x49: {  	_ =	shalt  }
0x4a: {  	_ =	shalt  }
0x4b: {  	_ =	shalt  }
0x4c: {  	_ =	shalt  }
0x4d: {  	_ =	shalt  }
0x4e: {  	_ =	shalt  }
0x4f: {  	_ =	shalt  }
0x50: {  	_ =	shalt  }
0x51: {  	_ =	shalt  }
0x52: {  	_ =	shalt  }
0x53: {  	_ =	shalt  }
0x54: {  	_ =	shalt  }
0x55: {  	_ =	shalt  }
0x56: {  	_ =	shalt  }
0x57: {  	_ =	shalt  }
0x58: {  	_ =	shalt  }
0x59: {  	_ =	shalt  }
0x5a: {  	_ =	shalt  }
0x5b: {  	_ =	shalt  }
0x5c: {  	_ =	shalt  }
0x5d: {  	_ =	shalt  }
0x5e: {  	_ =	shalt  }
0x5f: {  	_ =	shalt  }
0x60: {  	_ =	shalt  }
0x61: {  	_ =	shalt  }
0x62: {  	_ =	shalt  }
0x63: {  	_ =	shalt  }
0x64: {  	_ =	shalt  }
0x65: {  	_ =	shalt  }
0x66: {  	_ =	shalt  }
0x67: {  	_ =	shalt  }
0x68: {  	_ =	shalt  }
0x69: {  	_ =	shalt  }
0x6a: {  	_ =	shalt  }
0x6b: {  	_ =	shalt  }
0x6c: {  	_ =	shalt  }
0x6d: {  	_ =	shalt  }
0x6e: {  	_ =	shalt  }
0x6f: {  	_ =	shalt  }
0x70: {  	_ =	shalt  }
0x71: {  	_ =	shalt  }
0x72: {  	_ =	shalt  }
0x73: {  	_ =	shalt  }
0x74: {  	_ =	shalt  }
0x75: {  	_ =	shalt  }
0x76: {  	_ =	shalt  }
0x77: {  	_ =	shalt  }
0x78: {  	_ =	shalt  }
0x79: {  	_ =	shalt  }
0x7a: {  	_ =	shalt  }
0x7b: {  	_ =	shalt  }
0x7c: {  	_ =	shalt  }
0x7d: {  	_ =	shalt  }
0x7e: {  	_ =	shalt  }
0x7f: {  	_ =	shalt  }
0x80: {  	_ =	shalt  }
0x81: {  	_ =	shalt  }
0x82: {  	_ =	shalt  }
0x83: {  	_ =	shalt  }
0x84: {  	_ =	shalt  }
0x85: {  	_ =	shalt  }
0x86: {  	_ =	shalt  }
0x87: {  	_ =	shalt  }
.Lfunc_end0:
.L_simem_size_0:
called_computation_lowered:
.L_overlay_start_0:
0x88: {  	s2 =	sld [smem:$0x3FD9]  }
0x89: {  	s3 =	sld [smem:$0x3FFE];
	_ =	sdelay $0x1  }
0x8a: {  	s1 =	srdreg.scid  }
0x8b: {  	s0 =	sand.u32 $0x1, s1  }
0x8c: {  	s17 =	sshll.u32 s0, $0xA;
	s2 =	sadd.s32 s3, s2  }
0x8d: {  	s2 =	sadd.s32 s2, s17  }
0x8e: {  	[smem:$0x3FC3] =	sst s2  }
0x8f: {  	_ = 	snop  }
0x90: {  	s2 =	sld [smem:$0x3FD0];
	(tm) =	ssettm $0x1  }
0x91: {  	s18 =	sld [smem:$0x3FFB];
	_ =	sdelay $0x3  }
0x92: {  	_ =	strace s18  }
0x93: {  	s3 =	sld [smem:$0x3FFC];
	_ =	sdelay $0x3  }
0x94: {  	_ =	strace s3  }
0x95: {  	s3 =	sld [smem:$0x3FFD];
	_ =	sdelay $0x3  }
0x96: {  	_ =	strace s3  }
0x97: {  	_ =	strace $0x8FFFFFFF  }
0x98: {  	s19 =	sld [smem:$0x3FDB];
	_ =	sdelay $0x1  }
0x99: {  	s4 =	simm.s32 $_scs_section_size  }
0x9a: {  	s5 =	simm.s32 $_size__tile_overlayer_lowered;
	s6 =	simm.s32 $_tile_overlayer_lowered  }
0x9b: {  	s22 =	simm.s32 $0x1BFF;
	s21 =	sshll.u32 s6, $0x1;
	s3 =	sadd.s32 s4, s19  }
0x9c: {  	s7 =	simm.s32 $0x0;
	s20 =	sshll.u32 s5, $0x1;
	s5 =	sadd.s32 s21, s3  }
0x9d: {  	[timem:s7], [sflag:s22] =	dma.local [hbm:s5], s20  }
0x9e: {  	_ =	swait.ge [sflag:s22], s20  }
0x9f: {  	s4 =	ssub.s32 $0x0, s20;
	[sflag:s22] =	ssyncset.done $0x0  }
0xa0: {  	[sflag:s22] =	ssyncadd.s32 s4;
	_ =	sdelay $0x1  }
0xa1: {  	s23 =	simm.s32 $0x1B8B  }
0xa2: {  	_ =	swait.ge [sflag:s23], $0x1  }
0xa3: {  	[sflag:s23] =	ssyncset.done $0x0  }
0xa4: {  	s25 =	simm.s32 $0x1B8E;
	s24 =	sld [smem:$0x3FFE];
	[sflag:s23] =	ssyncadd.s32 $0xFFFFFFFF  }
0xa5: {  	s26 =	simm.s32 $execute0_lowered;
	[smem:$0x3FD2] =	sst s25  }
0xa6: {  	s5 =	sshll.u32 s26, $0x1;
	_ =	strace $0x80000046;
	[dreg:$0x1] =	wrdreg $0xFFFFFFFF  }
0xa7: {  	s28 =	simm.s32 $_size_execute0_lowered;
	s3 =	sadd.s32 s3, s5;
	[dreg:$0x0] =	wrdreg $0x0  }
0xa8: {  	s5 =	sshll.u32 s28, $0x1;
	[dreg:$0x2] =	wrdreg s3  }
0xa9: {  	[dreg:$0x3] =	wrdreg s5  }
0xaa: {  	[dreg:$0x4] =	wrdreg $0xC0  }
0xab: {  	_ =	task [dreg:s7], $0x5FFFF  }
0xac: {  	[dreg:$0x1] =	wrdreg $0xFFFFFFFF  }
0xad: {  	[dreg:$0x0] =	wrdreg $0x60  }
0xae: {  	[dreg:$0x2] =	wrdreg s24  }
0xaf: {  	[dreg:$0x3] =	wrdreg s2  }
0xb0: {  	[dreg:$0x4] =	wrdreg $0x9  }
0xb1: {  	_ =	task.clear_ibuf [dreg:s7], $0x5FFFF;
	_ =	strace $0x90000046  }
0xb2: {  	s29 =	simm.s32 $0x9;
	_ =	strace $0x80000048  }
0xb3: {  	_ =	swait.ge [sflag:s29], $0x1  }
0xb4: {  	[sflag:s29] =	ssyncadd.s32 $0xFFFFFFFF  }
0xb5: {  	_ =	strace $0x90000048  }
0xb6: {  	_ =	sfence  }
0xb7: {  	s30 =	sld [smem:$0x0];
	_ =	sdelay $0x2  }
0xb8: {  	s31 =	sshll.u32 s1, $0xD;
	s1 =	sshrl.u32 s1, $0x2  }
0xb9: {  	s3 =	sand.u32 $0x4000, s31;
	s1 =	sadd.s32 s1, s30  }
0xba: {  	s0 =	sor.u32 s3, s0;
	s1 =	sshll.u32 s1, $0x11  }
0xbb: {  	s0 =	sor.u32 s1, s0  }
0xbc: {  	s0 =	sadd.s32 $0x8F2B, s0  }
0xbd: {  	[sflag:s0] =	ssyncadd.remote.s32 $0x1  }
0xbe: {  	_ =	sfence.sel $0xFFFF  }
0xbf: {  	[dreg:$0x0] =	wrdreg $0xFFFFFFFF;
	(pc) =	sbr.abs _section_cstart, $3  }
0xc0: {  	[dreg:$0x1] =	wrdreg $0xFFFFFFFF  }
0xc1: {  	_ =	task.clear_ibuf [dreg:s7], $0x2FFFF;
	_ =	strace $0x9FFFFFFF  }
0xc2: {  	(tm) =	ssettm $0x7FFFFFFF  }
0xc3: {  	_ =	shalt  }
tec
execute0_lowered:
.L_overlay_start_1:
0x0: {  	(tag) =	ssettag $0x1  }
0x1: {  	s0 =	srdreg.scid;
	s6 =	rddreg [dreg:$0x0]  }
0x2: {  	s3 =	stileid.u32;
	s2 =	rddreg [dreg:$0x1];
	s31 =	simm.s32 $0x80  }
0x3: {  	s8 =	simm.s32 $0x3;
	s9 =	simm.s32 $0x0;
	s0 =	sand.u32 $0x1, s0  }
0x4: {  	s4 =	sshll.u32 s3, $0x7;
	s5 =	sadd.s32 $0x31200, s6;
	s1 =	sshll.u32 s0, $0x4  }
0x5: {  	s18 =	sadd.s32 $0x10, s2;
	s1 =	sor.u32 s3, s1;
	s3 =	simm.s32 $0x0  }
0x6: {  	s19 =	sadd.s32 $0x20, s2;
	s20 =	sadd.s32 $0x30, s2;
	[smem:$0x7FF] =	sst s3  }
0x7: {  	s21 =	sadd.s32 $0x210, s6;
	_ =	strace $0x80000047;
	[dreg:$0x6] =	wrdreg s18  }
0x8: {  	s22 =	sadd.s32 $0x220, s6;
	s23 =	sadd.s32 $0x230, s6;
	[dreg:$0x7] =	wrdreg s19  }
0x9: {  	s24 =	sadd.s32 $0x240, s6;
	s25 =	sadd.s32 $0x250, s6;
	[dreg:$0x8] =	wrdreg s20  }
0xa: {  	s26 =	sadd.s32 $0x260, s6;
	s28 =	sadd.s32 $0x50, s2;
	[dreg:$0x9] =	wrdreg s21  }
0xb: {  	s29 =	sadd.s32 $0x60, s2;
	s30 =	sadd.s32 $0x70, s2;
	[dreg:$0xa] =	wrdreg s22  }
0xc: {  	s4 =	sand.u32 $0x380, s4;
	s0 =	ssub.s32 $0x2, s0;
	[dreg:$0xb] =	wrdreg s23  }
0xd: {  	s7 =	sshrl.u32 s0, $0x1;
	s1 =	sshrl.u32 s1, $0x3;
	[dreg:$0xc] =	wrdreg s24  }
0xe: {  	s0 =	ssub.s32 s0, s7;
	s7 =	simm.s32 $0x9C80;
	[dreg:$0xd] =	wrdreg s25  }
0xf: {  	s1 =	smul.u32 $0x4E400, s1;
	s0 =	smax.u32 s0, $0x1;
	[dreg:$0xe] =	wrdreg s26  }
0x10: {  	s18 =	sadd.s32 $0x270, s6;
	s19 =	sadd.s32 $0x31210, s6;
	s20 =	sadd.s32 $0x31220, s6  }
0x11: {  	s21 =	sadd.s32 $0x31230, s6;
	s22 =	sadd.s32 $0x31240, s6;
	s1 =	sor.u32 s4, s1  }
0x12: {  	s23 =	sadd.s32 $0x31250, s6;
	s24 =	sadd.s32 $0x31260, s6;
	s1 =	sshrl.u32 s1, $0x3  }
0x13: {  	s25 =	sadd.s32 $0x31270, s6;
	s26 =	sadd.s32 $0x40, s2;
	s1 =	sadd.s32 s1, s6  }
0x14: {  	[dreg:$0x5] =	wrdreg s0;
	s0 =	simm.s32 $0x1;
	s17 =	sadd.s32 $0xA000, s1  }
0x15: {  	s4 =	sadd.s32 $0x200, s6;
	s1 =	sadd.s32 $0x3B000, s1;
	[dreg:$0x3] =	wrdreg s17  }
0x16: {  	v0 =	vimm.f32 $0.0e+00;
	s6 =	simm.s32 $0x2;
	[dreg:$0x4] =	wrdreg s1;
	s1 =	simm.s32 $0x400  }
.LBB2_1:
0x17: {  	s10 =	rddreg [dreg:$0x3]  }
0x18: {  	[tilespmem:s3], [sflag:$0x1] =	stream.strided.gather [hbm4b:s10+s31], $0x9C80, s1, s31, $0x38;
	[tilespmem:$0x15100] =	vst v63  }
0x19: {  	s11 =	simm.s32 $0x0;
	s10 =	simm.s32 $0x40  }
.LBB2_2:
0x1a: {  	p0 =	sne.s32 s10, $0x270C0;
	[tilespmem:s11+$0x9C80] =	vst v0;
	s11 =	smov.u32 s10;
	s10 =	sadd.s32 $0x40, s10  }
.Ltmp0:
0x1b: {  	(pc) =	sbr.rel @p0 .LBB2_2-.Ltmp0, $2  }
0x1c: {  	_ =	sdelay $0x2  }
0x1d: {  	s11 =	sshra.s32 s11, $0x2  }
0x1e: {  	[tilespmem:s11+$0x9C80] =	vst v0;
	s10 =	simm.s32 $0x0;
	s14 =	simm.s32 $0x13900  }
0x1f: {  	[tilespmem:s14], [sflag:$0x2] =	stream.linear.gather [hbm4b:s2+s10], $0x80, $0x38;
	[tilespmem:$0x15100] =	vst v63  }
0x20: {  	s15 =	rddreg [dreg:$0x6];
	s12 =	simm.s32 $0x13A00  }
0x21: {  	[tilespmem:s12], [sflag:$0x2] =	stream.linear.gather [hbm4b:s15+s10], $0x80, $0x38;
	[tilespmem:$0x15100] =	vst v63  }
0x22: {  	s16 =	rddreg [dreg:$0x7];
	s17 =	simm.s32 $0x13B00  }
0x23: {  	[tilespmem:s17], [sflag:$0x2] =	stream.linear.gather [hbm4b:s16+s10], $0x80, $0x38;
	[tilespmem:$0x15100] =	vst v63  }
0x24: {  	s13 =	rddreg [dreg:$0x8];
	s14 =	simm.s32 $0x13C00  }
0x25: {  	[tilespmem:s14], [sflag:$0x2] =	stream.linear.gather [hbm4b:s13+s10], $0x80, $0x38;
	[tilespmem:$0x15100] =	vst v63  }
0x26: {  	s15 =	simm.s32 $0x13D00  }
0x27: {  	[tilespmem:s15], [sflag:$0x2] =	stream.linear.gather [hbm4b:s26+s10], $0x80, $0x38;
	[tilespmem:$0x15100] =	vst v63  }
0x28: {  	s16 =	simm.s32 $0x13E00  }
0x29: {  	[tilespmem:s16], [sflag:$0x2] =	stream.linear.gather [hbm4b:s28+s10], $0x80, $0x38;
	[tilespmem:$0x15100] =	vst v63  }
0x2a: {  	s17 =	simm.s32 $0x13F00  }
0x2b: {  	[tilespmem:s17], [sflag:$0x2] =	stream.linear.gather [hbm4b:s29+s10], $0x80, $0x38;
	[tilespmem:$0x15100] =	vst v63  }
0x2c: {  	s12 =	simm.s32 $0x14000  }
0x2d: {  	[tilespmem:s12], [sflag:$0x2] =	stream.linear.gather [hbm4b:s30+s10], $0x80, $0x38;
	[tilespmem:$0x15100] =	vst v63  }
0x2e: {  	s13 =	simm.s32 $0x14100  }
0x2f: {  	[tilespmem:s13], [sflag:$0x2] =	stream.linear.gather [hbm4b:s4+s10], $0x80, $0x38;
	[tilespmem:$0x15100] =	vst v63  }
0x30: {  	s14 =	rddreg [dreg:$0x9];
	s15 =	simm.s32 $0x14200  }
0x31: {  	[tilespmem:s15], [sflag:$0x2] =	stream.linear.gather [hbm4b:s14+s10], $0x80, $0x38;
	[tilespmem:$0x15100] =	vst v63  }
0x32: {  	s16 =	rddreg [dreg:$0xa];
	s17 =	simm.s32 $0x14300  }
0x33: {  	[tilespmem:s17], [sflag:$0x2] =	stream.linear.gather [hbm4b:s16+s10], $0x80, $0x38;
	[tilespmem:$0x15100] =	vst v63  }
0x34: {  	s12 =	rddreg [dreg:$0xb];
	s13 =	simm.s32 $0x14400  }
0x35: {  	[tilespmem:s13], [sflag:$0x2] =	stream.linear.gather [hbm4b:s12+s10], $0x80, $0x38;
	[tilespmem:$0x15100] =	vst v63  }
0x36: {  	s14 =	rddreg [dreg:$0xc];
	s15 =	simm.s32 $0x14500  }
0x37: {  	[tilespmem:s15], [sflag:$0x2] =	stream.linear.gather [hbm4b:s14+s10], $0x80, $0x38;
	[tilespmem:$0x15100] =	vst v63  }
0x38: {  	s16 =	rddreg [dreg:$0xd];
	s17 =	simm.s32 $0x14600  }
0x39: {  	[tilespmem:s17], [sflag:$0x2] =	stream.linear.gather [hbm4b:s16+s10], $0x80, $0x38;
	[tilespmem:$0x15100] =	vst v63  }
0x3a: {  	s13 =	rddreg [dreg:$0xe];
	s14 =	simm.s32 $0x14700  }
0x3b: {  	[tilespmem:s14], [sflag:$0x2] =	stream.linear.gather [hbm4b:s13+s10], $0x80, $0x38;
	[tilespmem:$0x15100] =	vst v63  }
0x3c: {  	s15 =	simm.s32 $0x14800  }
0x3d: {  	[tilespmem:s15], [sflag:$0x2] =	stream.linear.gather [hbm4b:s18+s10], $0x80, $0x38;
	[tilespmem:$0x15100] =	vst v63  }
0x3e: {  	s16 =	simm.s32 $0x14900  }
0x3f: {  	[tilespmem:s16], [sflag:$0x2] =	stream.linear.gather [hbm4b:s5+s10], $0x80, $0x38;
	[tilespmem:$0x15100] =	vst v63  }
0x40: {  	s17 =	simm.s32 $0x14A00  }
0x41: {  	[tilespmem:s17], [sflag:$0x2] =	stream.linear.gather [hbm4b:s19+s10], $0x80, $0x38;
	[tilespmem:$0x15100] =	vst v63  }
0x42: {  	s12 =	simm.s32 $0x14B00  }
0x43: {  	[tilespmem:s12], [sflag:$0x2] =	stream.linear.gather [hbm4b:s20+s10], $0x80, $0x38;
	[tilespmem:$0x15100] =	vst v63  }
0x44: {  	s13 =	simm.s32 $0x14C00  }
0x45: {  	[tilespmem:s13], [sflag:$0x2] =	stream.linear.gather [hbm4b:s21+s10], $0x80, $0x38;
	[tilespmem:$0x15100] =	vst v63  }
0x46: {  	s14 =	simm.s32 $0x14D00  }
0x47: {  	[tilespmem:s14], [sflag:$0x2] =	stream.linear.gather [hbm4b:s22+s10], $0x80, $0x38;
	[tilespmem:$0x15100] =	vst v63  }
0x48: {  	s15 =	simm.s32 $0x14E00  }
0x49: {  	[tilespmem:s15], [sflag:$0x2] =	stream.linear.gather [hbm4b:s23+s10], $0x80, $0x38;
	[tilespmem:$0x15100] =	vst v63  }
0x4a: {  	s16 =	simm.s32 $0x14F00  }
0x4b: {  	[tilespmem:s16], [sflag:$0x2] =	stream.linear.gather [hbm4b:s24+s10], $0x80, $0x38;
	[tilespmem:$0x15100] =	vst v63  }
0x4c: {  	s17 =	simm.s32 $0x15000  }
0x4d: {  	[tilespmem:s17], [sflag:$0x2] =	stream.linear.gather [hbm4b:s25+s10], $0x80, $0x38;
	[tilespmem:$0x15100] =	vst v63  }
0x4e: {  	_ =	swait.ge [sflag:s0], $0x9C80  }
0x4f: {  	[sflag:s0] =	ssyncset.done $0x0  }
0x50: {  	s11 =	simm.s32 $0x0;
	[sflag:s0] =	ssyncadd.s32 $0xFFFF6380  }
.LBB2_5:
0x51: {  	_ =	swait.ge [sflag:s6], $0x400  }
0x52: {  	[sflag:s6] =	ssyncset.done $0x0  }
0x53: {  	[sflag:s6] =	ssyncadd.s32 $0xFFFFFC00  }
0x54: {  	_ =	swait.ge [sflag:s6], $0x400  }
0x55: {  	s12 =	smov.u32 s11;
	[sflag:s6] =	ssyncset.done $0x0  }
0x56: {  	s11 =	sadd.s32 $0x1, s11;
	s12 =	sshll.u32 s12, $0x7;
	[sflag:s6] =	ssyncadd.s32 $0xFFFFFC00  }
0x57: {  	s14 =	smin.u32 s11, $0x138;
	s12 =	sand.u32 $0x80, s12;
	_ =	swait.ge [sflag:s6], $0x400  }
0x58: {  	s14 =	sshll.u32 s14, $0x7;
	s13 =	sxor.u32 $0x80, s12;
	[sflag:s6] =	ssyncset.done $0x0  }
0x59: {  	s16 =	sadd.s32 s2, s14;
	s15 =	sor.u32 $0x13900, s13;
	[sflag:s6] =	ssyncadd.s32 $0xFFFFFC00  }
0x5a: {  	[tilespmem:s15], [sflag:$0x2] =	stream.linear.gather [hbm4b:s16+s10], $0x80, $0x38;
	[tilespmem:$0x15100] =	vst v63  }
0x5b: {  	s17 =	sor.u32 $0x13A00, s13;
	s15 =	sadd.s32 $0x10, s16  }
0x5c: {  	[tilespmem:s17], [sflag:$0x2] =	stream.linear.gather [hbm4b:s15+s10], $0x80, $0x38;
	[tilespmem:$0x15100] =	vst v63  }
0x5d: {  	s15 =	sadd.s32 $0x20, s16;
	s17 =	sor.u32 $0x13B00, s13  }
0x5e: {  	[tilespmem:s17], [sflag:$0x2] =	stream.linear.gather [hbm4b:s15+s10], $0x80, $0x38;
	[tilespmem:$0x15100] =	vst v63  }
0x5f: {  	s15 =	sadd.s32 $0x30, s16;
	s17 =	sor.u32 $0x13C00, s13  }
0x60: {  	[tilespmem:s17], [sflag:$0x2] =	stream.linear.gather [hbm4b:s15+s10], $0x80, $0x38;
	[tilespmem:$0x15100] =	vst v63  }
0x61: {  	s15 =	sadd.s32 $0x40, s16;
	s17 =	sor.u32 $0x13D00, s13  }
0x62: {  	[tilespmem:s17], [sflag:$0x2] =	stream.linear.gather [hbm4b:s15+s10], $0x80, $0x38;
	[tilespmem:$0x15100] =	vst v63  }
0x63: {  	s15 =	sadd.s32 $0x50, s16;
	s17 =	sor.u32 $0x13E00, s13  }
0x64: {  	[tilespmem:s17], [sflag:$0x2] =	stream.linear.gather [hbm4b:s15+s10], $0x80, $0x38;
	[tilespmem:$0x15100] =	vst v63  }
0x65: {  	s15 =	sadd.s32 $0x60, s16;
	s17 =	sor.u32 $0x13F00, s13  }
0x66: {  	[tilespmem:s17], [sflag:$0x2] =	stream.linear.gather [hbm4b:s15+s10], $0x80, $0x38;
	[tilespmem:$0x15100] =	vst v63  }
0x67: {  	s16 =	sadd.s32 $0x70, s16;
	s17 =	sor.u32 $0x14000, s13  }
0x68: {  	[tilespmem:s17], [sflag:$0x2] =	stream.linear.gather [hbm4b:s16+s10], $0x80, $0x38;
	[tilespmem:$0x15100] =	vst v63  }
0x69: {  	s17 =	sor.u32 $0x14100, s13;
	s16 =	sadd.s32 s4, s14  }
0x6a: {  	[tilespmem:s17], [sflag:$0x2] =	stream.linear.gather [hbm4b:s16+s10], $0x80, $0x38;
	[tilespmem:$0x15100] =	vst v63  }
0x6b: {  	s15 =	sadd.s32 $0x10, s16;
	s17 =	sor.u32 $0x14200, s13  }
0x6c: {  	[tilespmem:s17], [sflag:$0x2] =	stream.linear.gather [hbm4b:s15+s10], $0x80, $0x38;
	[tilespmem:$0x15100] =	vst v63  }
0x6d: {  	s15 =	sadd.s32 $0x20, s16;
	s17 =	sor.u32 $0x14300, s13  }
0x6e: {  	[tilespmem:s17], [sflag:$0x2] =	stream.linear.gather [hbm4b:s15+s10], $0x80, $0x38;
	[tilespmem:$0x15100] =	vst v63  }
0x6f: {  	s15 =	sadd.s32 $0x30, s16;
	s17 =	sor.u32 $0x14400, s13  }
0x70: {  	[tilespmem:s17], [sflag:$0x2] =	stream.linear.gather [hbm4b:s15+s10], $0x80, $0x38;
	[tilespmem:$0x15100] =	vst v63  }
0x71: {  	s15 =	sadd.s32 $0x40, s16;
	s17 =	sor.u32 $0x14500, s13  }
0x72: {  	[tilespmem:s17], [sflag:$0x2] =	stream.linear.gather [hbm4b:s15+s10], $0x80, $0x38;
	[tilespmem:$0x15100] =	vst v63  }
0x73: {  	s15 =	sadd.s32 $0x50, s16;
	s17 =	sor.u32 $0x14600, s13  }
0x74: {  	[tilespmem:s17], [sflag:$0x2] =	stream.linear.gather [hbm4b:s15+s10], $0x80, $0x38;
	[tilespmem:$0x15100] =	vst v63  }
0x75: {  	s15 =	sadd.s32 $0x60, s16;
	s17 =	sor.u32 $0x14700, s13  }
0x76: {  	[tilespmem:s17], [sflag:$0x2] =	stream.linear.gather [hbm4b:s15+s10], $0x80, $0x38;
	[tilespmem:$0x15100] =	vst v63  }
0x77: {  	s16 =	sadd.s32 $0x70, s16;
	s17 =	sor.u32 $0x14800, s13  }
0x78: {  	[tilespmem:s17], [sflag:$0x2] =	stream.linear.gather [hbm4b:s16+s10], $0x80, $0x38;
	[tilespmem:$0x15100] =	vst v63  }
0x79: {  	s14 =	sadd.s32 s5, s14;
	s17 =	sor.u32 $0x14900, s13  }
0x7a: {  	[tilespmem:s17], [sflag:$0x2] =	stream.linear.gather [hbm4b:s14+s10], $0x80, $0x38;
	[tilespmem:$0x15100] =	vst v63  }
0x7b: {  	s16 =	sadd.s32 $0x10, s14;
	s17 =	sor.u32 $0x14A00, s13  }
0x7c: {  	[tilespmem:s17], [sflag:$0x2] =	stream.linear.gather [hbm4b:s16+s10], $0x80, $0x38;
	[tilespmem:$0x15100] =	vst v63  }
0x7d: {  	s16 =	sadd.s32 $0x20, s14;
	s17 =	sor.u32 $0x14B00, s13  }
0x7e: {  	[tilespmem:s17], [sflag:$0x2] =	stream.linear.gather [hbm4b:s16+s10], $0x80, $0x38;
	[tilespmem:$0x15100] =	vst v63  }
0x7f: {  	s16 =	sadd.s32 $0x30, s14;
	s17 =	sor.u32 $0x14C00, s13  }
0x80: {  	[tilespmem:s17], [sflag:$0x2] =	stream.linear.gather [hbm4b:s16+s10], $0x80, $0x38;
	[tilespmem:$0x15100] =	vst v63  }
0x81: {  	s16 =	sadd.s32 $0x40, s14;
	s17 =	sor.u32 $0x14D00, s13  }
0x82: {  	[tilespmem:s17], [sflag:$0x2] =	stream.linear.gather [hbm4b:s16+s10], $0x80, $0x38;
	[tilespmem:$0x15100] =	vst v63  }
0x83: {  	s16 =	sadd.s32 $0x50, s14;
	s17 =	sor.u32 $0x14E00, s13  }
0x84: {  	[tilespmem:s17], [sflag:$0x2] =	stream.linear.gather [hbm4b:s16+s10], $0x80, $0x38;
	[tilespmem:$0x15100] =	vst v63  }
0x85: {  	s16 =	sadd.s32 $0x60, s14;
	s17 =	sor.u32 $0x14F00, s13;
	s14 =	sadd.s32 $0x70, s14  }
0x86: {  	[tilespmem:s17], [sflag:$0x2] =	stream.linear.gather [hbm4b:s16+s10], $0x80, $0x38;
	[tilespmem:$0x15100] =	vst v63  }
0x87: {  	s13 =	sor.u32 $0x15000, s13;
	s16 =	sand.u32 $0x40, s10;
	s17 =	sand.u32 $0x700, s10  }
0x88: {  	[tilespmem:s13], [sflag:$0x2] =	stream.linear.gather [hbm4b:s14+s10], $0x80, $0x38;
	[tilespmem:$0x15100] =	vst v63  }
0x89: {  	s13 =	sor.u32 s17, s16  }
0x8a: {  	s13 =	sor.u32 s12, s13  }
0x8b: {  	v5 =	vld [tilespmem:s13+$0x13930];
	_ =	sdelay $0x1  }
0x8c: {  	v6 =	vld [tilespmem:s13+$0x13900]  }
0x8d: {  	v7 =	vld [tilespmem:s13+$0x13910]  }
0x8e: {  	v8 =	vld [tilespmem:s13+$0x13920]  }
0x8f: {  	v1 =	vld [tilespmem:s13+$0x14900]  }
0x90: {  	v15 =	vld [tilespmem:s13+$0x14130]  }
0x91: {  	v4 =	vld [tilespmem:s13+$0x14930]  }
0x92: {  	v9 =	vld.idx.msk [tilespmem:v5+s3+$0x0], $0xffff  }
0x93: {  	v3 =	vld [tilespmem:s13+$0x14910]  }
0x94: {  	v2 =	vld [tilespmem:s13+$0x14920]  }
0x95: {  	v16 =	vld [tilespmem:s13+$0x14100];
	v11 =	vadd.s32 $0x2710, v5  }
0x96: {  	v17 =	vld [tilespmem:s13+$0x14110]  }
0x97: {  	v10 =	vld.idx.msk [tilespmem:v6+s3+$0x0], $0xffff;
	v9 =	vmul.f32 v9, v4  }
0x98: {  	v12 =	vld.idx.msk [tilespmem:v7+s3+$0x0], $0xffff  }
0x99: {  	[tilespmem:v15+s7+$0x0] =	vst.idx.add.f32.msk $0xffff, v9  }
0x9a: {  	v9 =	vld.idx.msk [tilespmem:v11+s3+$0x0], $0xffff  }
0x9b: {  	v18 =	vld [tilespmem:s13+$0x14120];
	v11 =	vadd.s32 $0x2710, v6  }
0x9c: {  	v14 =	vadd.s32 $0x2710, v15;
	v13 =	vld.idx.msk [tilespmem:v8+s3+$0x0], $0xffff;
	v10 =	vmul.f32 v10, v1  }
0x9d: {  	v19 =	vadd.s32 $0x4E20, v5;
	v12 =	vmul.f32 v12, v3  }
0x9e: {  	[tilespmem:v16+s7+$0x0] =	vst.idx.add.f32.msk $0xffff, v10  }
0x9f: {  	v10 =	vadd.s32 $0x2710, v7;
	[tilespmem:v17+s7+$0x0] =	vst.idx.add.f32.msk $0xffff, v12;
	v9 =	vmul.f32 v9, v4  }
0xa0: {  	v11 =	vld.idx.msk [tilespmem:v11+s3+$0x0], $0xffff  }
0xa1: {  	v13 =	vmul.f32 v13, v2;
	v12 =	vadd.s32 $0x2710, v8;
	[tilespmem:v14+s7+$0x0] =	vst.idx.add.f32.msk $0xffff, v9  }
0xa2: {  	v9 =	vadd.s32 $0x2710, v16;
	v14 =	vld.idx.msk [tilespmem:v19+s3+$0x0], $0xffff  }
0xa3: {  	[tilespmem:v18+s7+$0x0] =	vst.idx.add.f32.msk $0xffff, v13;
	v19 =	vadd.s32 $0x4E20, v6  }
0xa4: {  	v13 =	vadd.s32 $0x4E20, v15;
	v10 =	vld.idx.msk [tilespmem:v10+s3+$0x0], $0xffff  }
0xa5: {  	v5 =	vadd.s32 $0x7530, v5;
	v11 =	vmul.f32 v11, v1  }
0xa6: {  	v20 =	vadd.s32 $0x2710, v17;
	v12 =	vld.idx.msk [tilespmem:v12+s3+$0x0], $0xffff  }
0xa7: {  	v22 =	vadd.s32 $0x4E20, v7;
	[tilespmem:v9+s7+$0x0] =	vst.idx.add.f32.msk $0xffff, v11;
	v9 =	vmul.f32 v14, v4  }
0xa8: {  	v21 =	vadd.s32 $0x2710, v18;
	v19 =	vld.idx.msk [tilespmem:v19+s3+$0x0], $0xffff  }
0xa9: {  	v23 =	vadd.s32 $0x4E20, v8;
	v10 =	vmul.f32 v10, v3;
	[tilespmem:v13+s7+$0x0] =	vst.idx.add.f32.msk $0xffff, v9  }
0xaa: {  	v13 =	vadd.s32 $0x4E20, v16;
	v14 =	vld.idx.msk [tilespmem:v5+s3+$0x0], $0xffff  }
0xab: {  	[tilespmem:v20+s7+$0x0] =	vst.idx.add.f32.msk $0xffff, v10;
	v9 =	vmul.f32 v12, v2;
	v12 =	vadd.s32 $0x7530, v6  }
0xac: {  	v8 =	vadd.s32 $0x7530, v8;
	v15 =	vadd.s32 $0x7530, v15;
	v5 =	vadd.s32 $0x7530, v16;
	v16 =	vld.idx.msk [tilespmem:v22+s3+$0x0], $0xffff  }
0xad: {  	v10 =	vadd.s32 $0x4E20, v18;
	[tilespmem:v21+s7+$0x0] =	vst.idx.add.f32.msk $0xffff, v9;
	v9 =	vadd.s32 $0x7530, v18;
	v18 =	vmul.f32 v19, v1  }
0xae: {  	s15 =	simm.s32 $0x40;
	s14 =	simm.s32 $0x80;
	s13 =	simm.s32 $0x0;
	v11 =	vadd.s32 $0x4E20, v17;
	v6 =	vadd.s32 $0x7530, v7;
	v7 =	vadd.s32 $0x7530, v17;
	v17 =	vld.idx.msk [tilespmem:v23+s3+$0x0], $0xffff  }
.LBB2_6:
0xaf: {  	s16 =	sand.u32 $0x40, s15;
	s17 =	sand.u32 $0x700, s14;
	s13 =	sadd.s32 $0x4, s13;
	[tilespmem:v13+s7+$0x0] =	vst.idx.add.f32.msk $0xffff, v18;
	v4 =	vmul.f32 v14, v4  }
0xb0: {  	s16 =	sor.u32 s17, s16;
	p0 =	slt.u32 s13, $0x3C;
	v12 =	vld.idx.msk [tilespmem:v12+s3+$0x0], $0xffff  }
0xb1: {  	s16 =	sor.u32 s12, s16;
	[tilespmem:v15+s7+$0x0] =	vst.idx.add.f32.msk $0xffff, v4  }
0xb2: {  	v15 =	vmul.f32 v16, v3;
	v14 =	vld [tilespmem:s16+$0x13930]  }
0xb3: {  	v16 =	vmul.f32 v17, v2;
	v13 =	vld [tilespmem:s16+$0x13900]  }
0xb4: {  	v17 =	vld [tilespmem:s16+$0x13910]  }
0xb5: {  	v18 =	vld [tilespmem:s16+$0x13920]  }
0xb6: {  	v19 =	vmul.f32 v12, v1;
	v1 =	vld [tilespmem:s16+$0x14900]  }
0xb7: {  	v20 =	vld [tilespmem:s16+$0x14910]  }
0xb8: {  	v21 =	vadd.s32 $0x2710, v13;
	v22 =	vadd.s32 $0x4E20, v13;
	v12 =	vadd.s32 $0x7530, v13;
	v23 =	vld [tilespmem:s16+$0x14920]  }
0xb9: {  	v24 =	vadd.s32 $0x2710, v17;
	v25 =	vadd.s32 $0x4E20, v17;
	v26 =	vadd.s32 $0x7530, v17;
	v27 =	vld [tilespmem:s16+$0x14130]  }
0xba: {  	v28 =	vadd.s32 $0x2710, v18;
	v29 =	vadd.s32 $0x4E20, v18;
	v30 =	vadd.s32 $0x7530, v18;
	v31 =	vld.idx.msk [tilespmem:v14+s3+$0x0], $0xffff  }
0xbb: {  	v4 =	vld [tilespmem:s16+$0x14930]  }
0xbc: {  	v13 =	vld.idx.msk [tilespmem:v13+s3+$0x0], $0xffff  }
0xbd: {  	v17 =	vld.idx.msk [tilespmem:v17+s3+$0x0], $0xffff  }
0xbe: {  	v32 =	vadd.s32 $0x2710, v14;
	v18 =	vld.idx.msk [tilespmem:v18+s3+$0x0], $0xffff  }
0xbf: {  	v33 =	vld [tilespmem:s16+$0x14100]  }
0xc0: {  	v34 =	vld [tilespmem:s16+$0x14110];
	v31 =	vmul.f32 v31, v4  }
0xc1: {  	v35 =	vld [tilespmem:s16+$0x14120]  }
0xc2: {  	v36 =	vmul.f32 v13, v1;
	[tilespmem:v27+s7+$0x0] =	vst.idx.add.f32.msk $0xffff, v31  }
0xc3: {  	v17 =	vmul.f32 v17, v20;
	v31 =	vld.idx.msk [tilespmem:v32+s3+$0x0], $0xffff  }
0xc4: {  	v18 =	vmul.f32 v18, v23;
	v32 =	vadd.s32 $0x2710, v33;
	v13 =	vadd.s32 $0x4E20, v33;
	[tilespmem:v11+s7+$0x0] =	vst.idx.add.f32.msk $0xffff, v15  }
0xc5: {  	v15 =	vadd.s32 $0x7530, v33;
	v37 =	vadd.s32 $0x2710, v34;
	v11 =	vadd.s32 $0x4E20, v34;
	[tilespmem:v10+s7+$0x0] =	vst.idx.add.f32.msk $0xffff, v16  }
0xc6: {  	v38 =	vadd.s32 $0x2710, v27;
	v16 =	vadd.s32 $0x2710, v35;
	v10 =	vadd.s32 $0x4E20, v35;
	v39 =	vld.idx.msk [tilespmem:v6+s3+$0x0], $0xffff;
	v6 =	vmovc v26  }
0xc7: {  	v26 =	vadd.s32 $0x7530, v34;
	[tilespmem:v33+s7+$0x0] =	vst.idx.add.f32.msk $0xffff, v36;
	v33 =	vadd.s32 $0x7530, v35;
	v36 =	vadd.s32 $0x4E20, v14  }
0xc8: {  	[tilespmem:v34+s7+$0x0] =	vst.idx.add.f32.msk $0xffff, v17  }
0xc9: {  	v17 =	vmul.f32 v31, v4;
	[tilespmem:v35+s7+$0x0] =	vst.idx.add.f32.msk $0xffff, v18  }
0xca: {  	v18 =	vld.idx.msk [tilespmem:v21+s3+$0x0], $0xffff  }
0xcb: {  	[tilespmem:v38+s7+$0x0] =	vst.idx.add.f32.msk $0xffff, v17  }
0xcc: {  	v21 =	vmul.f32 v39, v3;
	v3 =	vmov v20;
	v17 =	vld.idx.msk [tilespmem:v36+s3+$0x0], $0xffff  }
0xcd: {  	v20 =	vld.idx.msk [tilespmem:v24+s3+$0x0], $0xffff  }
0xce: {  	v24 =	vld.idx.msk [tilespmem:v28+s3+$0x0], $0xffff  }
0xcf: {  	v28 =	vadd.s32 $0x4E20, v27;
	v31 =	vld.idx.msk [tilespmem:v8+s3+$0x0], $0xffff;
	v8 =	vmov v30  }
0xd0: {  	v14 =	vadd.s32 $0x7530, v14;
	v18 =	vmul.f32 v18, v1;
	[tilespmem:v5+s7+$0x0] =	vst.idx.add.f32.msk $0xffff, v19;
	v5 =	vmov v15  }
0xd1: {  	[tilespmem:v7+s7+$0x0] =	vst.idx.add.f32.msk $0xffff, v21;
	v7 =	vmov v26  }
0xd2: {  	v15 =	vmul.f32 v17, v4;
	[tilespmem:v32+s7+$0x0] =	vst.idx.add.f32.msk $0xffff, v18  }
0xd3: {  	v18 =	vmul.f32 v20, v3;
	v17 =	vld.idx.msk [tilespmem:v22+s3+$0x0], $0xffff  }
0xd4: {  	v19 =	vmul.f32 v24, v23;
	[tilespmem:v28+s7+$0x0] =	vst.idx.add.f32.msk $0xffff, v15  }
0xd5: {  	v20 =	vmul.f32 v31, v2;
	v2 =	vmov v23;
	v14 =	vld.idx.msk [tilespmem:v14+s3+$0x0], $0xffff  }
.Ltmp1:
0xd6: {  	[tilespmem:v37+s7+$0x0] =	vst.idx.add.f32.msk $0xffff, v18;
	(pc) =	sbr.rel @p0 .LBB2_6-.Ltmp1, $4  }
0xd7: {  	[tilespmem:v16+s7+$0x0] =	vst.idx.add.f32.msk $0xffff, v19  }
0xd8: {  	v15 =	vadd.s32 $0x7530, v27;
	v16 =	vld.idx.msk [tilespmem:v25+s3+$0x0], $0xffff  }
0xd9: {  	v18 =	vmul.f32 v17, v1;
	v17 =	vld.idx.msk [tilespmem:v29+s3+$0x0], $0xffff  }
0xda: {  	s14 =	sadd.s32 $0x80, s14;
	s15 =	sadd.s32 $0x40, s15;
	[tilespmem:v9+s7+$0x0] =	vst.idx.add.f32.msk $0xffff, v20;
	v9 =	vmov v33  }
0xdb: {  	_ =	sdelay $0x3  }
0xdc: {  	[tilespmem:v13+s7+$0x0] =	vst.idx.add.f32.msk $0xffff, v18;
	v62 =	vmul.f32 v16, v3  }
0xdd: {  	v12 =	vld.idx.msk [tilespmem:v12+s3+$0x0], $0xffff;
	v63 =	vmul.f32 v17, v2  }
0xde: {  	[tilespmem:v11+s7+$0x0] =	vst.idx.add.f32.msk $0xffff, v62  }
0xdf: {  	[tilespmem:v10+s7+$0x0] =	vst.idx.add.f32.msk $0xffff, v63  }
0xe0: {  	v6 =	vld.idx.msk [tilespmem:v6+s3+$0x0], $0xffff  }
0xe1: {  	v8 =	vld.idx.msk [tilespmem:v8+s3+$0x0], $0xffff;
	_ =	sdelay $0x1  }
0xe2: {  	v4 =	vmul.f32 v14, v4  }
0xe3: {  	v1 =	vmul.f32 v12, v1  }
0xe4: {  	[tilespmem:v15+s7+$0x0] =	vst.idx.add.f32.msk $0xffff, v4;
	v3 =	vmul.f32 v6, v3  }
0xe5: {  	[tilespmem:v5+s7+$0x0] =	vst.idx.add.f32.msk $0xffff, v1;
	v1 =	vmul.f32 v8, v2  }
0xe6: {  	[tilespmem:v7+s7+$0x0] =	vst.idx.add.f32.msk $0xffff, v3  }
0xe7: {  	[tilespmem:v9+s7+$0x0] =	vst.idx.add.f32.msk $0xffff, v1  }
0xe8: {  	p0 =	seq.s32 s11, $0x139  }
.Ltmp2:
0xe9: {  	_ = 	snop;
	(pc) =	sbr.rel @!p0 .LBB2_5-.Ltmp2, $1  }
0xea: {  	_ =	sdelay $0x3  }
0xeb: {  	_ =	swait.ge [sflag:s6], $0x400  }
0xec: {  	[sflag:s6] =	ssyncset.done $0x0  }
0xed: {  	[sflag:s6] =	ssyncadd.s32 $0xFFFFFC00  }
0xee: {  	_ =	swait.ge [sflag:s6], $0x400  }
0xef: {  	[sflag:s6] =	ssyncset.done $0x0  }
0xf0: {  	[sflag:s6] =	ssyncadd.s32 $0xFFFFFC00  }
0xf1: {  	_ =	swait.ge [sflag:s6], $0x400  }
0xf2: {  	[sflag:s6] =	ssyncset.done $0x0  }
0xf3: {  	s10 =	rddreg [dreg:$0x4];
	[sflag:s6] =	ssyncadd.s32 $0xFFFFFC00  }
0xf4: {  	[hbm4b:s10+s31] =	stream.strided.scatter [tilespmem:s7], [sflag:$0x3], $0x9C80, s1, s31, $0x38;
	[tilespmem:$0x15100] =	vst v63  }
0xf5: {  	_ =	swait.ge [sflag:s8], $0x9C80  }
0xf6: {  	s9 =	sadd.s32 $0x1, s9;
	s17 =	rddreg [dreg:$0x5]  }
0xf7: {  	p0 =	sne.s32 s9, s17  }
.Ltmp3:
0xf8: {  	_ = 	snop;
	(pc) =	sbr.rel @p0 .LBB2_1-.Ltmp3, $3  }
0xf9: {  	_ =	sdelay $0x1  }
0xfa: {  	[sflag:s8] =	ssyncset.done $0x0  }
0xfb: {  	[sflag:s8] =	ssyncadd.s32 $0xFFFF6380  }
0xfc: {  	_ =	sfence.sel $0x180000  }
0xfd: {  	[bflag:$0x0] =	sbarrier.arrive $0xFFFF  }
0xfe: {  	_ =	strace $0x90000047  }
0xff: {  	s0 =	stileid.u32;
	[bflag:$0x2] =	sbarrier.arrive $0xFFFF  }
0x100: {  	p0 =	sne.s32 s0, $0x0;
	s0 =	rddreg [dreg:$0x2]  }
0x101: {  	s0 =	sadd.s32 @!p0 $0x100000, s0  }
0x102: {  	[sflag:s0] =	ssyncadd.tile.s32 @!p0 $0x1;
	_ =	shalt  }
.Lfunc_end2:
_tile_overlayer_lowered:
.L_overlay_start_2:
0x103: {  	(tag) =	ssettag $0x2  }
0x104: {  	s0 =	rddreg [dreg:$0x0];
	s2 =	stileid.u32  }
0x105: {  	s1 =	rddreg [dreg:$0x1];
	p0 =	sne.s32 s2, $0x0  }
0x106: {  	s3 =	rddreg [dreg:$0x2];
	[bflag:$0x3] =	sbarrier.arrive $0xFFFF;
	s2 =	simm.s32 @!p0 $0x1C03  }
0x107: {  	[timem:s3], [sflag:s2] =	dma.local @!p0 [hbm:s0], s1  }
0x108: {  	s0 =	simm.s32 @!p0 $0x3  }
0x109: {  	_ =	swait.ge @!p0 [sflag:s0], s1  }
0x10a: {  	s1 =	ssub.s32 @!p0 $0x0, s1;
	[sflag:s0] =	ssyncset.done @!p0 $0x0  }
0x10b: {  	[sflag:s0] =	ssyncadd.s32 @!p0 s1  }
0x10c: {  	[bflag:$0x3] =	sbarrier.arrive $0xFFFF  }
0x10d: {  	_ =	shalt  }

</sc_bundles>
